<compile_context>
chip_gen: v7x
topology: tpu7x:2x2x1
jax: 0.10.2.dev20260603
libtpu: 0.0.44.dev20260713+nightly
codegen_flags: <defaults>
</compile_context>

<pallas_src>
import functools

import jax
import jax.numpy as jnp
import numpy as np
from jax import lax
from jax.experimental import pallas as pl
from jax.experimental.pallas import tpu as pltpu
from jax.experimental.pallas import tpu_sc as plsc

_VOCAB = 1000000
_EMB = 64
_L = 50
_RAD = 5
_NEG = 5
_B = 4096

_NC = 2
_NS = 16
_NW = _NC * _NS
_POS_ROWS = _B * _L
_NEG_ROWS = _B * _NEG
_ROWS = _POS_ROWS + _NEG_ROWS
_RPW = _ROWS // _NW
_CH = 128
_NCH = _RPW // _CH

_BSUB = 2048
_NB2 = _B // _BSUB
_NPROD = 11
_HALF = 123 * 4096
_PACKED_ROWS = _POS_ROWS // 2 + _NEG_ROWS
_T = _L // 2


def _sc_gather(table2, idxq3):
    mesh = plsc.VectorSubcoreMesh(core_axis_name="c", subcore_axis_name="s")

    @functools.partial(
        pl.kernel,
        mesh=mesh,
        out_type=jax.ShapeDtypeStruct((_ROWS, 2 * _EMB), jnp.float32),
        scratch_types=[
            pltpu.VMEM((_NCH, _CH), jnp.int32),
            pltpu.VMEM((_CH, 2 * _EMB), jnp.float32),
            pltpu.VMEM((_CH, 2 * _EMB), jnp.float32),
            pltpu.SemaphoreType.DMA,
            pltpu.SemaphoreType.DMA,
        ],
    )
    def gather_kernel(table_hbm, idx_hbm, out_hbm, idx_v, rows_a, rows_b,
                      sem_a, sem_b):
        wid = lax.axis_index("s") * _NC + lax.axis_index("c")
        pltpu.sync_copy(idx_hbm.at[wid], idx_v)
        base = wid * _RPW

        def start(j, buf, sem):
            pltpu.async_copy(table_hbm.at[idx_v.at[j]], buf, sem)

        def finish(j, buf, sem):
            pltpu.make_async_copy(table_hbm.at[idx_v.at[j]], buf, sem).wait()
            pltpu.sync_copy(buf, out_hbm.at[pl.ds(base + j * _CH, _CH)])

        start(0, rows_a, sem_a)

        def body(m, carry):
            j0 = 2 * m
            start(j0 + 1, rows_b, sem_b)
            finish(j0, rows_a, sem_a)
            start(jnp.minimum(j0 + 2, _NCH - 1), rows_a, sem_a)
            finish(j0 + 1, rows_b, sem_b)
            return carry

        lax.fori_loop(0, _NCH // 2, body, 0)
        finish(_NCH - 1, rows_a, sem_a)

    return gather_kernel(table2, idxq3)


def _tc_squeeze(tT):
    bc = 12288
    grid = _HALF // bc

    def body(l_ref, r_ref, o_ref):
        o_ref[:, :_EMB] = jnp.transpose(l_ref[...], (1, 0))
        o_ref[:, _EMB:] = jnp.transpose(r_ref[...], (1, 0))

    return pl.pallas_call(
        body,
        grid=(grid,),
        in_specs=[
            pl.BlockSpec((_EMB, bc), lambda i: (0, i)),
            pl.BlockSpec((_EMB, bc),
                         lambda i: (0, jnp.minimum(i + grid,
                                                   _VOCAB // bc))),
        ],
        out_specs=pl.BlockSpec((bc, 2 * _EMB), lambda i: (i, 0)),
        out_shape=jax.ShapeDtypeStruct((_HALF, 2 * _EMB), jnp.float32),
    )(tT, tT)


def _tc_unpack(packed, hsel3):
    blk = _B
    npos = _L // 2

    def i1(o):
        return (jnp.where(o < npos, 2 * o, npos + o), 0)

    def i2(o):
        return (jnp.where(o < npos, 2 * o + 1, npos + o), 0)

    def body(p1_ref, p2_ref, h1_ref, h2_ref, o_ref):
        p1, p2 = p1_ref[...], p2_ref[...]
        h1 = jnp.transpose(h1_ref[...].reshape(1, blk), (1, 0))
        h2 = jnp.transpose(h2_ref[...].reshape(1, blk), (1, 0))
        o_ref[:, :_EMB] = jnp.where(h1 > 0, p1[:, _EMB:], p1[:, :_EMB])
        o_ref[:, _EMB:] = jnp.where(h2 > 0, p2[:, _EMB:], p2[:, :_EMB])

    return pl.pallas_call(
        body,
        grid=(_ROWS // blk // 2 + _NEG,),
        in_specs=[
            pl.BlockSpec((blk, 2 * _EMB), i1),
            pl.BlockSpec((blk, 2 * _EMB), i2),
            pl.BlockSpec((1, 1, blk), lambda o: (i1(o)[0], 0, 0)),
            pl.BlockSpec((1, 1, blk), lambda o: (i2(o)[0], 0, 0)),
        ],
        out_specs=pl.BlockSpec((blk, 2 * _EMB), lambda o: (o, 0)),
        out_shape=jax.ShapeDtypeStruct((_PACKED_ROWS, 2 * _EMB), jnp.float32),
    )(packed, packed, hsel3, hsel3)


def _sel_matrix():
    sel = np.zeros((_NPROD * 128, 128), np.float32)
    for p in range(_NPROD):
        sel[p * 128: p * 128 + 64, 2 * p] = 1.0
        sel[p * 128 + 64: (p + 1) * 128, 2 * p + 1] = 1.0
    return jnp.asarray(sel)


_POS_TMAX = [23, 23, 22, 22, 24, -1, 23, 23, 22, 22, -1, 21]
_NCOL = 2 * _NPROD


def _tc_loss(g2):
    negblk0 = _POS_ROWS // 2 // _BSUB

    def body(a_ref, b1_ref, b2_ref, b3_ref, n0, n1, n2, n3, n4, sel_ref,
             out_ref, s_ref):
        i2 = pl.program_id(0)
        t = pl.program_id(1)
        a = a_ref[...]
        prods = [
            a * b1_ref[...],
            a * b2_ref[...],
            a * pltpu.roll(a, 64, 1),
            a * pltpu.roll(b1_ref[...], 64, 1),
            a * pltpu.roll(b2_ref[...], 64, 1),
            a * pltpu.roll(b3_ref[...], 64, 1),
            a * n0[...],
            a * n1[...],
            a * n2[...],
            a * n3[...],
            a * n4[...],
        ]
        for p in range(_NPROD):
            s_ref[:, p * 128:(p + 1) * 128] = prods[p]
        sims = jnp.dot(s_ref[...], sel_ref[...],
                       preferred_element_type=jnp.float32)

        p_ = jax.nn.sigmoid(sims)
        f = jnp.where(p_ > 0, -jnp.log(jnp.where(p_ > 0, p_, 1.0)), 100.0)
        q_ = 1.0 - p_
        g = jnp.where(q_ > 0, -jnp.log(jnp.where(q_ > 0, q_, 1.0)), 100.0)

        lanes = lax.broadcasted_iota(jnp.int32, (1, 128), 1)
        tmax = jnp.full((1, 128), -1, jnp.int32)
        for c, tm in enumerate(_POS_TMAX):
            tmax = jnp.where(lanes == c, tm, tmax)
        is_pos = lanes < 12
        is_neg = (lanes >= 12) & (lanes < _NCOL)
        w = jnp.where(is_pos & (t <= tmax), 2.0,
                      jnp.where(is_neg, 1.0, 0.0))
        vals = jnp.where(is_pos, f, g) * w
        part = jnp.sum(vals, axis=0, keepdims=True)

        @pl.when((i2 == 0) & (t == 0))
        def _():
            out_ref[...] = jnp.zeros_like(out_ref)

        out_ref[...] += part

    bspec = lambda im: pl.BlockSpec((_BSUB, 128), im)
    out = pl.pallas_call(
        body,
        grid=(_NB2, _T),
        in_specs=[
            bspec(lambda i2, t: (t * _NB2 + i2, 0)),
            bspec(lambda i2, t: (jnp.minimum(t + 1, _T - 1) * _NB2 + i2, 0)),
            bspec(lambda i2, t: (jnp.minimum(t + 2, _T - 1) * _NB2 + i2, 0)),
            bspec(lambda i2, t: (jnp.minimum(t + 3, _T - 1) * _NB2 + i2, 0)),
            bspec(lambda i2, t: (negblk0 + 0 * _NB2 + i2, 0)),
            bspec(lambda i2, t: (negblk0 + 1 * _NB2 + i2, 0)),
            bspec(lambda i2, t: (negblk0 + 2 * _NB2 + i2, 0)),
            bspec(lambda i2, t: (negblk0 + 3 * _NB2 + i2, 0)),
            bspec(lambda i2, t: (negblk0 + 4 * _NB2 + i2, 0)),
            pl.BlockSpec((_NPROD * 128, 128), lambda i2, t: (0, 0)),
        ],
        out_specs=pl.BlockSpec((1, 128), lambda i2, t: (0, 0)),
        out_shape=jax.ShapeDtypeStruct((1, 128), jnp.float32),
        scratch_shapes=[pltpu.VMEM((_BSUB, _NPROD * 128), jnp.float32)],
    )(*([g2] * 9), _sel_matrix())
    pos_sum = jnp.sum(out[0, :12])
    neg_sum = jnp.sum(out[0, 12:_NCOL])
    return pos_sum / (_B * _L * _L) + neg_sum / (_B * _L * _NEG)


def kernel(batch, table):
    neg_words = jax.random.randint(
        jax.random.key(1), (_B, _NEG), 1, _VOCAB, dtype=jnp.int32)
    idx = jnp.concatenate([batch.T.reshape(-1), neg_words.T.reshape(-1)])
    idxq3 = jnp.where(idx < _HALF, idx, idx - _HALF).reshape(_NW, _NCH, _CH)
    hsel3 = (idx >= _HALF).astype(jnp.float32).reshape(_L + _NEG, 1, _B)
    table2 = _tc_squeeze(table.T)
    packed = _sc_gather(table2, idxq3)
    gathered = _tc_unpack(packed, hsel3)
    return _tc_loss(gathered)

# --- scband reference (transcript-rebuilt; emitter-appended) ---
"""Pipeline reference for scband-nn-91293824844372 (READ-ONLY COPY).

The authoritative reference and input builder live on the scoring server;
editing this copy changes nothing except your own understanding.
"""

import jax, jax.numpy as jnp
import numpy as np

VOCAB = 1000000
EMB = 64
SENT_LEN = 50
RADIUS = 5
NEG_N = 5
BATCH = 4096


def _bce_mean(p, t):
    # faithful to torch.nn.functional.binary_cross_entropy with log clamped at -100
    p_safe = jnp.where(p > 0, p, 1.0)
    logp = jnp.where(p > 0, jnp.log(p_safe), -100.0)
    q = 1.0 - p
    q_safe = jnp.where(q > 0, q, 1.0)
    log1mp = jnp.where(q > 0, jnp.log(q_safe), -100.0)
    loss = -(t * logp + (1.0 - t) * log1mp)
    return jnp.mean(loss)


def _positive_mask(L, radius):
    idx = jnp.arange(L)
    d = jnp.abs(idx[:, None] - idx[None, :])
    return ((d > 0) & (d <= radius)).astype(jnp.float32)


def setup_inputs(seed: int = 0) -> dict:
    key = jax.random.key(seed)
    k1, k2 = jax.random.split(key)
    batch = jax.random.randint(k1, (BATCH, SENT_LEN), 0, VOCAB, dtype=jnp.int32)
    table = jax.random.normal(k2, (VOCAB, EMB), dtype=jnp.float32)
    table = table.at[0].set(0.0)  # padding_idx=0
    return {"batch": batch, "table": table}


def reference(batch, table):
    B = batch.shape[0]
    batch_embs = jnp.take(table, batch, axis=0)  # [B, L, D] gather
    # positive pairwise sims: bmm(embs, embs^T)
    positive_sims = jnp.einsum('bld,bmd->blm', batch_embs, batch_embs)
    positive_probs = jax.nn.sigmoid(positive_sims)
    mask = _positive_mask(SENT_LEN, RADIUS)  # [L, L]
    positive_loss = _bce_mean(positive_probs * mask,
                              jnp.broadcast_to(mask, positive_probs.shape))
    # negative sampling (fixed key stands in for torch.randint)
    neg_words = jax.random.randint(jax.random.key(1), (B, NEG_N), 1, VOCAB, dtype=jnp.int32)
    negative_embs = jnp.take(table, neg_words, axis=0)  # [B, NEG, D]
    negative_sims = jnp.einsum('bld,bnd->bln', batch_embs, negative_embs)
    negative_probs = jax.nn.sigmoid(negative_sims)
    negative_loss = _bce_mean(negative_probs, jnp.zeros_like(negative_probs))
    return positive_loss + negative_loss

if __name__ == "__main__":
    import jax
    _d = setup_inputs()
    print(jax.jit(kernel)(*tuple(_d.values())))

</pallas_src>

<mosaic_0001>
#map = affine_map<(d0, d1) -> (0, 0)>
#map1 = affine_map<(d0, d1) -> (0, 0, 0)>
module attributes {stable_mosaic.version = 14 : i64} {
  func.func @gather_kernel(%arg0: i32, %arg1: i32, %arg2: memref<503808x128xf32, #tpu.memory_space<hbm>>, %arg3: memref<32x55x128xi32, #tpu.memory_space<hbm>>, %arg4: memref<225280x128xf32, #tpu.memory_space<hbm>>, %arg5: memref<55x128xi32, #tpu.memory_space<vmem>>, %arg6: memref<128x128xf32, #tpu.memory_space<vmem>>, %arg7: memref<128x128xf32, #tpu.memory_space<vmem>>, %arg8: memref<!tpu.dma_semaphore, #tpu.memory_space<semaphore_mem>>, %arg9: memref<!tpu.dma_semaphore, #tpu.memory_space<semaphore_mem>>) attributes {dimension_semantics = [#tpu.dimension_semantics<core_parallel>, #tpu.dimension_semantics<subcore_parallel>], iteration_bounds = array<i64: 2, 16>, scalar_prefetch = 0 : i64, scratch_operands = 5 : i64, tpu.core_type = #tpu.core_type<sc_vector_subcore>, window_params = [{transform_indices = #map}, {transform_indices = #map1}, {transform_indices = #map}]} {
    %mul3A = arith.constant 2 : i32
    %mul3A_0 = arith.muli %arg1, %mul3A : i32
    %add3A = arith.addi %mul3A_0, %arg0 : i32
    "tpu.region"() ({
      %run_scoped3A = tpu.sem_alloc : memref<!tpu.dma_semaphore, #tpu.memory_space<semaphore_mem>>
      %dma_start3A_22 = arith.constant 0 : i32
      %dma_start3A_23 = arith.constant 0 : i32
      %dma_start3A_24 = tpu.memref_slice %arg3[%add3A, %dma_start3A_22, %dma_start3A_23] : memref<32x55x128xi32, #tpu.memory_space<hbm>> -> memref<1x55x128xi32, #tpu.memory_space<hbm>>
      %dma_start3A_25 = tpu.memref_squeeze %dma_start3A_24 : memref<1x55x128xi32, #tpu.memory_space<hbm>> -> memref<55x128xi32, #tpu.memory_space<hbm>>
      %dma_start3A_26 = arith.constant 0 : i32
      %dma_start3A_27 = arith.constant 0 : i32
      %dma_start3A_28 = tpu.memref_slice %arg3[%add3A, %dma_start3A_26, %dma_start3A_27] : memref<32x55x128xi32, #tpu.memory_space<hbm>> -> memref<1x55x128xi32, #tpu.memory_space<hbm>>
      %dma_start3A_29 = tpu.memref_squeeze %dma_start3A_28 : memref<1x55x128xi32, #tpu.memory_space<hbm>> -> memref<55x128xi32, #tpu.memory_space<hbm>>
      tpu.enqueue_dma source(%dma_start3A_29 : memref<55x128xi32, #tpu.memory_space<hbm>>) target(%arg5 : memref<55x128xi32, #tpu.memory_space<vmem>>) target_semaphore(%run_scoped3A : memref<!tpu.dma_semaphore, #tpu.memory_space<semaphore_mem>>)
      %dma_wait3A_30 = arith.constant 0 : i32
      %dma_wait3A_31 = arith.constant 0 : i32
      %dma_wait3A_32 = tpu.memref_slice %arg3[%add3A, %dma_wait3A_30, %dma_wait3A_31] : memref<32x55x128xi32, #tpu.memory_space<hbm>> -> memref<1x55x128xi32, #tpu.memory_space<hbm>>
      %dma_wait3A_33 = tpu.memref_squeeze %dma_wait3A_32 : memref<1x55x128xi32, #tpu.memory_space<hbm>> -> memref<55x128xi32, #tpu.memory_space<hbm>>
      %dma_wait3A_34 = arith.constant 0 : i32
      %dma_wait3A_35 = arith.constant 0 : i32
      %dma_wait3A_36 = tpu.memref_slice %arg3[%add3A, %dma_wait3A_34, %dma_wait3A_35] : memref<32x55x128xi32, #tpu.memory_space<hbm>> -> memref<1x55x128xi32, #tpu.memory_space<hbm>>
      %dma_wait3A_37 = tpu.memref_squeeze %dma_wait3A_36 : memref<1x55x128xi32, #tpu.memory_space<hbm>> -> memref<55x128xi32, #tpu.memory_space<hbm>>
      tpu.wait_dma2 semaphore(%run_scoped3A : memref<!tpu.dma_semaphore, #tpu.memory_space<semaphore_mem>>) src(%dma_wait3A_37 : memref<55x128xi32, #tpu.memory_space<hbm>>) dst(%arg5 : memref<55x128xi32, #tpu.memory_space<vmem>>)
      tpu.yield
    }) : () -> ()
    %mul3A_1 = arith.constant 7040 : i32
    %mul3A_2 = arith.muli %add3A, %mul3A_1 : i32
    %dma_start3A = arith.constant 0 : i32
    %dma_start3A_3 = arith.constant 0 : i32
    %dma_start3A_4 = tpu.memref_slice %arg5[%dma_start3A, %dma_start3A_3] : memref<55x128xi32, #tpu.memory_space<vmem>> -> memref<1x128xi32, #tpu.memory_space<vmem>>
    %dma_start3A_5 = tpu.memref_squeeze %dma_start3A_4 : memref<1x128xi32, #tpu.memory_space<vmem>> -> memref<128xi32, #tpu.memory_space<vmem>>
    %dma_start3A_6 = arith.constant 0 : i32
    %dma_start3A_7 = arith.constant 0 : i32
    %dma_start3A_8 = tpu.memref_slice %arg2[%dma_start3A_6, %dma_start3A_7] : memref<503808x128xf32, #tpu.memory_space<hbm>> -> memref<503808x128xf32, #tpu.memory_space<hbm>>
    tpu.enqueue_indirect_dma source(%dma_start3A_8 : memref<503808x128xf32, #tpu.memory_space<hbm>>) target(%arg6 : memref<128x128xf32, #tpu.memory_space<vmem>>) offsets(%dma_start3A_5 : memref<128xi32, #tpu.memory_space<vmem>>) semaphore(%arg8 : memref<!tpu.dma_semaphore, #tpu.memory_space<semaphore_mem>>)
    %scan3A = arith.constant 0 : i32
    %scan3A_9 = arith.constant 0 : i32
    %scan3A_10 = arith.constant 27 : i32
    %scan3A_11 = arith.addi %scan3A_9, %scan3A_10 : i32
    %scan3A_12 = arith.constant 1 : i32
    scf.for %scan3A_22 = %scan3A_9 to %scan3A_11 step %scan3A_12  : i32 {
      %mul3A_23 = arith.constant 2 : i32
      %mul3A_24 = arith.muli %mul3A_23, %scan3A_22 : i32
      %add3A_25 = arith.constant 1 : i32
      %add3A_26 = arith.addi %mul3A_24, %add3A_25 : i32
      %dma_start3A_27 = arith.constant 0 : i32
      %dma_start3A_28 = tpu.memref_slice %arg5[%add3A_26, %dma_start3A_27] : memref<55x128xi32, #tpu.memory_space<vmem>> -> memref<1x128xi32, #tpu.memory_space<vmem>>
      %dma_start3A_29 = tpu.memref_squeeze %dma_start3A_28 : memref<1x128xi32, #tpu.memory_space<vmem>> -> memref<128xi32, #tpu.memory_space<vmem>>
      %dma_start3A_30 = arith.constant 0 : i32
      %dma_start3A_31 = arith.constant 0 : i32
      %dma_start3A_32 = tpu.memref_slice %arg2[%dma_start3A_30, %dma_start3A_31] : memref<503808x128xf32, #tpu.memory_space<hbm>> -> memref<503808x128xf32, #tpu.memory_space<hbm>>
      tpu.enqueue_indirect_dma source(%dma_start3A_32 : memref<503808x128xf32, #tpu.memory_space<hbm>>) target(%arg7 : memref<128x128xf32, #tpu.memory_space<vmem>>) offsets(%dma_start3A_29 : memref<128xi32, #tpu.memory_space<vmem>>) semaphore(%arg9 : memref<!tpu.dma_semaphore, #tpu.memory_space<semaphore_mem>>)
      %dma_wait3A_33 = arith.constant 0 : i32
      %dma_wait3A_34 = tpu.memref_slice %arg5[%mul3A_24, %dma_wait3A_33] : memref<55x128xi32, #tpu.memory_space<vmem>> -> memref<1x128xi32, #tpu.memory_space<vmem>>
      %dma_wait3A_35 = tpu.memref_squeeze %dma_wait3A_34 : memref<1x128xi32, #tpu.memory_space<vmem>> -> memref<128xi32, #tpu.memory_space<vmem>>
      %dma_wait3A_36 = arith.constant 0 : i32
      %dma_wait3A_37 = arith.constant 0 : i32
      %dma_wait3A_38 = tpu.memref_slice %arg2[%dma_wait3A_36, %dma_wait3A_37] : memref<503808x128xf32, #tpu.memory_space<hbm>> -> memref<503808x128xf32, #tpu.memory_space<hbm>>
      tpu.wait_indirect_dma semaphore(%arg8 : memref<!tpu.dma_semaphore, #tpu.memory_space<semaphore_mem>>) src(%dma_wait3A_38 : memref<503808x128xf32, #tpu.memory_space<hbm>>) dst(%arg6 : memref<128x128xf32, #tpu.memory_space<vmem>>)
      %mul3A_39 = arith.constant 128 : i32
      %mul3A_40 = arith.muli %mul3A_24, %mul3A_39 : i32
      %add3A_41 = arith.addi %mul3A_2, %mul3A_40 : i32
      "tpu.region"() ({
        %run_scoped3A = tpu.sem_alloc : memref<!tpu.dma_semaphore, #tpu.memory_space<semaphore_mem>>
        %dma_start3A_62 = arith.constant 0 : i32
        %dma_start3A_63 = tpu.memref_slice %arg4[%add3A_41, %dma_start3A_62] : memref<225280x128xf32, #tpu.memory_space<hbm>> -> memref<128x128xf32, #tpu.memory_space<hbm>>
        %dma_start3A_64 = arith.constant 0 : i32
        %dma_start3A_65 = tpu.memref_slice %arg4[%add3A_41, %dma_start3A_64] : memref<225280x128xf32, #tpu.memory_space<hbm>> -> memref<128x128xf32, #tpu.memory_space<hbm>>
        tpu.enqueue_dma source(%arg6 : memref<128x128xf32, #tpu.memory_space<vmem>>) target(%dma_start3A_65 : memref<128x128xf32, #tpu.memory_space<hbm>>) target_semaphore(%run_scoped3A : memref<!tpu.dma_semaphore, #tpu.memory_space<semaphore_mem>>)
        %dma_wait3A_66 = arith.constant 0 : i32
        %dma_wait3A_67 = tpu.memref_slice %arg4[%add3A_41, %dma_wait3A_66] : memref<225280x128xf32, #tpu.memory_space<hbm>> -> memref<128x128xf32, #tpu.memory_space<hbm>>
        %dma_wait3A_68 = arith.constant 0 : i32
        %dma_wait3A_69 = tpu.memref_slice %arg4[%add3A_41, %dma_wait3A_68] : memref<225280x128xf32, #tpu.memory_space<hbm>> -> memref<128x128xf32, #tpu.memory_space<hbm>>
        tpu.wait_dma2 semaphore(%run_scoped3A : memref<!tpu.dma_semaphore, #tpu.memory_space<semaphore_mem>>) src(%arg6 : memref<128x128xf32, #tpu.memory_space<vmem>>) dst(%dma_wait3A_69 : memref<128x128xf32, #tpu.memory_space<hbm>>)
        tpu.yield
      }) : () -> ()
      %add3A_42 = arith.constant 2 : i32
      %add3A_43 = arith.addi %mul3A_24, %add3A_42 : i32
      %min3A = arith.constant 54 : i32
      %min3A_44 = arith.minsi %add3A_43, %min3A : i32
      %dma_start3A_45 = arith.constant 0 : i32
      %dma_start3A_46 = tpu.memref_slice %arg5[%min3A_44, %dma_start3A_45] : memref<55x128xi32, #tpu.memory_space<vmem>> -> memref<1x128xi32, #tpu.memory_space<vmem>>
      %dma_start3A_47 = tpu.memref_squeeze %dma_start3A_46 : memref<1x128xi32, #tpu.memory_space<vmem>> -> memref<128xi32, #tpu.memory_space<vmem>>
      %dma_start3A_48 = arith.constant 0 : i32
      %dma_start3A_49 = arith.constant 0 : i32
      %dma_start3A_50 = tpu.memref_slice %arg2[%dma_start3A_48, %dma_start3A_49] : memref<503808x128xf32, #tpu.memory_space<hbm>> -> memref<503808x128xf32, #tpu.memory_space<hbm>>
      tpu.enqueue_indirect_dma source(%dma_start3A_50 : memref<503808x128xf32, #tpu.memory_space<hbm>>) target(%arg6 : memref<128x128xf32, #tpu.memory_space<vmem>>) offsets(%dma_start3A_47 : memref<128xi32, #tpu.memory_space<vmem>>) semaphore(%arg8 : memref<!tpu.dma_semaphore, #tpu.memory_space<semaphore_mem>>)
      %add3A_51 = arith.constant 1 : i32
      %add3A_52 = arith.addi %mul3A_24, %add3A_51 : i32
      %dma_wait3A_53 = arith.constant 0 : i32
      %dma_wait3A_54 = tpu.memref_slice %arg5[%add3A_52, %dma_wait3A_53] : memref<55x128xi32, #tpu.memory_space<vmem>> -> memref<1x128xi32, #tpu.memory_space<vmem>>
      %dma_wait3A_55 = tpu.memref_squeeze %dma_wait3A_54 : memref<1x128xi32, #tpu.memory_space<vmem>> -> memref<128xi32, #tpu.memory_space<vmem>>
      %dma_wait3A_56 = arith.constant 0 : i32
      %dma_wait3A_57 = arith.constant 0 : i32
      %dma_wait3A_58 = tpu.memref_slice %arg2[%dma_wait3A_56, %dma_wait3A_57] : memref<503808x128xf32, #tpu.memory_space<hbm>> -> memref<503808x128xf32, #tpu.memory_space<hbm>>
      tpu.wait_indirect_dma semaphore(%arg9 : memref<!tpu.dma_semaphore, #tpu.memory_space<semaphore_mem>>) src(%dma_wait3A_58 : memref<503808x128xf32, #tpu.memory_space<hbm>>) dst(%arg7 : memref<128x128xf32, #tpu.memory_space<vmem>>)
      %mul3A_59 = arith.constant 128 : i32
      %mul3A_60 = arith.muli %add3A_52, %mul3A_59 : i32
      %add3A_61 = arith.addi %mul3A_2, %mul3A_60 : i32
      "tpu.region"() ({
        %run_scoped3A = tpu.sem_alloc : memref<!tpu.dma_semaphore, #tpu.memory_space<semaphore_mem>>
        %dma_start3A_62 = arith.constant 0 : i32
        %dma_start3A_63 = tpu.memref_slice %arg4[%add3A_61, %dma_start3A_62] : memref<225280x128xf32, #tpu.memory_space<hbm>> -> memref<128x128xf32, #tpu.memory_space<hbm>>
        %dma_start3A_64 = arith.constant 0 : i32
        %dma_start3A_65 = tpu.memref_slice %arg4[%add3A_61, %dma_start3A_64] : memref<225280x128xf32, #tpu.memory_space<hbm>> -> memref<128x128xf32, #tpu.memory_space<hbm>>
        tpu.enqueue_dma source(%arg7 : memref<128x128xf32, #tpu.memory_space<vmem>>) target(%dma_start3A_65 : memref<128x128xf32, #tpu.memory_space<hbm>>) target_semaphore(%run_scoped3A : memref<!tpu.dma_semaphore, #tpu.memory_space<semaphore_mem>>)
        %dma_wait3A_66 = arith.constant 0 : i32
        %dma_wait3A_67 = tpu.memref_slice %arg4[%add3A_61, %dma_wait3A_66] : memref<225280x128xf32, #tpu.memory_space<hbm>> -> memref<128x128xf32, #tpu.memory_space<hbm>>
        %dma_wait3A_68 = arith.constant 0 : i32
        %dma_wait3A_69 = tpu.memref_slice %arg4[%add3A_61, %dma_wait3A_68] : memref<225280x128xf32, #tpu.memory_space<hbm>> -> memref<128x128xf32, #tpu.memory_space<hbm>>
        tpu.wait_dma2 semaphore(%run_scoped3A : memref<!tpu.dma_semaphore, #tpu.memory_space<semaphore_mem>>) src(%arg7 : memref<128x128xf32, #tpu.memory_space<vmem>>) dst(%dma_wait3A_69 : memref<128x128xf32, #tpu.memory_space<hbm>>)
        tpu.yield
      }) : () -> ()
    }
    %scan3A_13 = arith.constant 27 : i32
    %dma_wait3A = arith.constant 54 : i32
    %dma_wait3A_14 = arith.constant 0 : i32
    %dma_wait3A_15 = tpu.memref_slice %arg5[%dma_wait3A, %dma_wait3A_14] : memref<55x128xi32, #tpu.memory_space<vmem>> -> memref<1x128xi32, #tpu.memory_space<vmem>>
    %dma_wait3A_16 = tpu.memref_squeeze %dma_wait3A_15 : memref<1x128xi32, #tpu.memory_space<vmem>> -> memref<128xi32, #tpu.memory_space<vmem>>
    %dma_wait3A_17 = arith.constant 0 : i32
    %dma_wait3A_18 = arith.constant 0 : i32
    %dma_wait3A_19 = tpu.memref_slice %arg2[%dma_wait3A_17, %dma_wait3A_18] : memref<503808x128xf32, #tpu.memory_space<hbm>> -> memref<503808x128xf32, #tpu.memory_space<hbm>>
    tpu.wait_indirect_dma semaphore(%arg8 : memref<!tpu.dma_semaphore, #tpu.memory_space<semaphore_mem>>) src(%dma_wait3A_19 : memref<503808x128xf32, #tpu.memory_space<hbm>>) dst(%arg6 : memref<128x128xf32, #tpu.memory_space<vmem>>)
    %add3A_20 = arith.constant 6912 : i32
    %add3A_21 = arith.addi %mul3A_2, %add3A_20 : i32
    "tpu.region"() ({
      %run_scoped3A = tpu.sem_alloc : memref<!tpu.dma_semaphore, #tpu.memory_space<semaphore_mem>>
      %dma_start3A_22 = arith.constant 0 : i32
      %dma_start3A_23 = tpu.memref_slice %arg4[%add3A_21, %dma_start3A_22] : memref<225280x128xf32, #tpu.memory_space<hbm>> -> memref<128x128xf32, #tpu.memory_space<hbm>>
      %dma_start3A_24 = arith.constant 0 : i32
      %dma_start3A_25 = tpu.memref_slice %arg4[%add3A_21, %dma_start3A_24] : memref<225280x128xf32, #tpu.memory_space<hbm>> -> memref<128x128xf32, #tpu.memory_space<hbm>>
      tpu.enqueue_dma source(%arg6 : memref<128x128xf32, #tpu.memory_space<vmem>>) target(%dma_start3A_25 : memref<128x128xf32, #tpu.memory_space<hbm>>) target_semaphore(%run_scoped3A : memref<!tpu.dma_semaphore, #tpu.memory_space<semaphore_mem>>)
      %dma_wait3A_26 = arith.constant 0 : i32
      %dma_wait3A_27 = tpu.memref_slice %arg4[%add3A_21, %dma_wait3A_26] : memref<225280x128xf32, #tpu.memory_space<hbm>> -> memref<128x128xf32, #tpu.memory_space<hbm>>
      %dma_wait3A_28 = arith.constant 0 : i32
      %dma_wait3A_29 = tpu.memref_slice %arg4[%add3A_21, %dma_wait3A_28] : memref<225280x128xf32, #tpu.memory_space<hbm>> -> memref<128x128xf32, #tpu.memory_space<hbm>>
      tpu.wait_dma2 semaphore(%run_scoped3A : memref<!tpu.dma_semaphore, #tpu.memory_space<semaphore_mem>>) src(%arg6 : memref<128x128xf32, #tpu.memory_space<vmem>>) dst(%dma_wait3A_29 : memref<128x128xf32, #tpu.memory_space<hbm>>)
      tpu.yield
    }) : () -> ()
    return
  }
}

module attributes {stable_mosaic.version = 14 : i64} {
  func.func @body(%arg0: i32, %arg1: memref<64x12288xf32, #tpu.memory_space<vmem>>, %arg2: memref<64x12288xf32, #tpu.memory_space<vmem>>, %arg3: memref<12288x128xf32, #tpu.memory_space<vmem>>) attributes {dimension_semantics = [#tpu.dimension_semantics<arbitrary>], iteration_bounds = array<i64: 41>, scalar_prefetch = 0 : i64, scratch_operands = 0 : i64, tpu.core_type = #tpu.core_type<tc>, window_params = [{transform_indices = @transform_0, window_bounds = array<i64: 64, 12288>}, {transform_indices = @transform_1, window_bounds = array<i64: 64, 12288>}, {transform_indices = @transform_2, window_bounds = array<i64: 12288, 128>}]} {
    %get3A = arith.constant 0 : index
    %get3A_0 = arith.constant 0 : index
    %get3A_1 = vector.load %arg1[%get3A, %get3A_0] : memref<64x12288xf32, #tpu.memory_space<vmem>>, vector<64x12288xf32>
    %transpose3A = tpu.transpose %get3A_1, [1, 0] : vector<64x12288xf32> -> vector<12288x64xf32>
    %swap3A = arith.constant 0 : index
    %swap3A_2 = arith.constant 0 : index
    %swap3A_3 = vector.load %arg3[%swap3A, %swap3A_2] : memref<12288x128xf32, #tpu.memory_space<vmem>>, vector<12288x64xf32>
    tpu.vector_store %arg3[%swap3A, %swap3A_2], %transpose3A {strides = array<i32>} : memref<12288x128xf32, #tpu.memory_space<vmem>>, vector<12288x64xf32>,
    %get3A_4 = arith.constant 0 : index
    %get3A_5 = arith.constant 0 : index
    %get3A_6 = vector.load %arg2[%get3A_4, %get3A_5] : memref<64x12288xf32, #tpu.memory_space<vmem>>, vector<64x12288xf32>
    %transpose3A_7 = tpu.transpose %get3A_6, [1, 0] : vector<64x12288xf32> -> vector<12288x64xf32>
    %swap3A_8 = arith.constant 0 : index
    %swap3A_9 = arith.constant 64 : index
    %swap3A_10 = vector.load %arg3[%swap3A_8, %swap3A_9] : memref<12288x128xf32, #tpu.memory_space<vmem>>, vector<12288x64xf32>
    tpu.vector_store %arg3[%swap3A_8, %swap3A_9], %transpose3A_7 {strides = array<i32>} : memref<12288x128xf32, #tpu.memory_space<vmem>>, vector<12288x64xf32>,
    return
  }
  func.func @transform_0(%arg0: i32) -> (i32, i32) {
    %c0_i32 = arith.constant 0 : i32
    %c0_i32_0 = arith.constant 0 : i32
    return %c0_i32, %arg0 : i32, i32
  }
  func.func @transform_1(%arg0: i32) -> (i32, i32) {
    %add3A = arith.constant 41 : i32
    %add3A_0 = arith.addi %arg0, %add3A : i32
    %min3A = arith.constant 81 : i32
    %min3A_1 = arith.minsi %add3A_0, %min3A : i32
    %c0_i32 = arith.constant 0 : i32
    %c0_i32_2 = arith.constant 0 : i32
    return %c0_i32, %min3A_1 : i32, i32
  }
  func.func @transform_2(%arg0: i32) -> (i32, i32) {
    %c0_i32 = arith.constant 0 : i32
    %c0_i32_0 = arith.constant 0 : i32
    return %arg0, %c0_i32 : i32, i32
  }
}

module attributes {stable_mosaic.version = 14 : i64} {
  func.func @body(%arg0: i32, %arg1: memref<4096x128xf32, #tpu.memory_space<vmem>>, %arg2: memref<4096x128xf32, #tpu.memory_space<vmem>>, %arg3: memref<1x1x4096xf32, #tpu.memory_space<vmem>>, %arg4: memref<1x1x4096xf32, #tpu.memory_space<vmem>>, %arg5: memref<4096x128xf32, #tpu.memory_space<vmem>>) attributes {dimension_semantics = [#tpu.dimension_semantics<arbitrary>], iteration_bounds = array<i64: 32>, scalar_prefetch = 0 : i64, scratch_operands = 0 : i64, tpu.core_type = #tpu.core_type<tc>, window_params = [{transform_indices = @transform_0, window_bounds = array<i64: 4096, 128>}, {transform_indices = @transform_1, window_bounds = array<i64: 4096, 128>}, {transform_indices = @transform_2, window_bounds = array<i64: 1, 1, 4096>}, {transform_indices = @transform_3, window_bounds = array<i64: 1, 1, 4096>}, {transform_indices = @transform_4, window_bounds = array<i64: 4096, 128>}]} {
    %get3A = arith.constant 0 : index
    %get3A_0 = arith.constant 0 : index
    %get3A_1 = vector.load %arg1[%get3A, %get3A_0] : memref<4096x128xf32, #tpu.memory_space<vmem>>, vector<4096x128xf32>
    %get3A_2 = arith.constant 0 : index
    %get3A_3 = arith.constant 0 : index
    %get3A_4 = vector.load %arg2[%get3A_2, %get3A_3] : memref<4096x128xf32, #tpu.memory_space<vmem>>, vector<4096x128xf32>
    %get3A_5 = arith.constant 0 : index
    %get3A_6 = arith.constant 0 : index
    %get3A_7 = arith.constant 0 : index
    %get3A_8 = vector.load %arg3[%get3A_5, %get3A_6, %get3A_7] : memref<1x1x4096xf32, #tpu.memory_space<vmem>>, vector<1x1x4096xf32>
    %reshape3A = vector.shape_cast %get3A_8 : vector<1x1x4096xf32> to vector<1x4096xf32>
    %transpose3A = tpu.transpose %reshape3A, [1, 0] : vector<1x4096xf32> -> vector<4096x1xf32>
    %get3A_9 = arith.constant 0 : index
    %get3A_10 = arith.constant 0 : index
    %get3A_11 = arith.constant 0 : index
    %get3A_12 = vector.load %arg4[%get3A_9, %get3A_10, %get3A_11] : memref<1x1x4096xf32, #tpu.memory_space<vmem>>, vector<1x1x4096xf32>
    %reshape3A_13 = vector.shape_cast %get3A_12 : vector<1x1x4096xf32> to vector<1x4096xf32>
    %transpose3A_14 = tpu.transpose %reshape3A_13, [1, 0] : vector<1x4096xf32> -> vector<4096x1xf32>
    %gt3A = arith.constant 0.000000e+00 : f32
    %gt3A_15 = vector.broadcast %gt3A : f32 to vector<4096x1xf32>
    %gt3A_16 = arith.cmpf ogt, %transpose3A, %gt3A_15 : vector<4096x1xf32>
    %slice3A = vector.extract_strided_slice %get3A_1 {offsets = [0, 64], sizes = [4096, 64], strides = [1, 1]} : vector<4096x128xf32> to vector<4096x64xf32>
    %slice3A_17 = vector.extract_strided_slice %get3A_1 {offsets = [0, 0], sizes = [4096, 64], strides = [1, 1]} : vector<4096x128xf32> to vector<4096x64xf32>
    %broadcast_in_dim3A = vector.shape_cast %gt3A_16 : vector<4096x1xi1> to vector<4096x1xi1>
    %broadcast_in_dim3A_18 = vector.broadcast %broadcast_in_dim3A : vector<4096x1xi1> to vector<4096x64xi1>
    %select_n3A = arith.select %broadcast_in_dim3A_18, %slice3A, %slice3A_17 : vector<4096x64xi1>, vector<4096x64xf32>
    %swap3A = arith.constant 0 : index
    %swap3A_19 = arith.constant 0 : index
    %swap3A_20 = vector.load %arg5[%swap3A, %swap3A_19] : memref<4096x128xf32, #tpu.memory_space<vmem>>, vector<4096x64xf32>
    tpu.vector_store %arg5[%swap3A, %swap3A_19], %select_n3A {strides = array<i32>} : memref<4096x128xf32, #tpu.memory_space<vmem>>, vector<4096x64xf32>,
    %gt3A_21 = arith.constant 0.000000e+00 : f32
    %gt3A_22 = vector.broadcast %gt3A_21 : f32 to vector<4096x1xf32>
    %gt3A_23 = arith.cmpf ogt, %transpose3A_14, %gt3A_22 : vector<4096x1xf32>
    %slice3A_24 = vector.extract_strided_slice %get3A_4 {offsets = [0, 64], sizes = [4096, 64], strides = [1, 1]} : vector<4096x128xf32> to vector<4096x64xf32>
    %slice3A_25 = vector.extract_strided_slice %get3A_4 {offsets = [0, 0], sizes = [4096, 64], strides = [1, 1]} : vector<4096x128xf32> to vector<4096x64xf32>
    %broadcast_in_dim3A_26 = vector.shape_cast %gt3A_23 : vector<4096x1xi1> to vector<4096x1xi1>
    %broadcast_in_dim3A_27 = vector.broadcast %broadcast_in_dim3A_26 : vector<4096x1xi1> to vector<4096x64xi1>
    %select_n3A_28 = arith.select %broadcast_in_dim3A_27, %slice3A_24, %slice3A_25 : vector<4096x64xi1>, vector<4096x64xf32>
    %swap3A_29 = arith.constant 0 : index
    %swap3A_30 = arith.constant 64 : index
    %swap3A_31 = vector.load %arg5[%swap3A_29, %swap3A_30] : memref<4096x128xf32, #tpu.memory_space<vmem>>, vector<4096x64xf32>
    tpu.vector_store %arg5[%swap3A_29, %swap3A_30], %select_n3A_28 {strides = array<i32>} : memref<4096x128xf32, #tpu.memory_space<vmem>>, vector<4096x64xf32>,
    return
  }
  func.func @transform_0(%arg0: i32) -> (i32, i32) {
    %lt3A = arith.constant 25 : i32
    %lt3A_0 = arith.cmpi slt, %arg0, %lt3A : i32
    %mul3A = arith.constant 2 : i32
    %mul3A_1 = arith.muli %mul3A, %arg0 : i32
    %add3A = arith.constant 25 : i32
    %add3A_2 = arith.addi %add3A, %arg0 : i32
    %select_n3A = arith.select %lt3A_0, %mul3A_1, %add3A_2 : i32
    %c0_i32 = arith.constant 0 : i32
    %c0_i32_3 = arith.constant 0 : i32
    return %select_n3A, %c0_i32 : i32, i32
  }
  func.func @transform_1(%arg0: i32) -> (i32, i32) {
    %lt3A = arith.constant 25 : i32
    %lt3A_0 = arith.cmpi slt, %arg0, %lt3A : i32
    %mul3A = arith.constant 2 : i32
    %mul3A_1 = arith.muli %mul3A, %arg0 : i32
    %add3A = arith.constant 1 : i32
    %add3A_2 = arith.addi %mul3A_1, %add3A : i32
    %add3A_3 = arith.constant 25 : i32
    %add3A_4 = arith.addi %add3A_3, %arg0 : i32
    %select_n3A = arith.select %lt3A_0, %add3A_2, %add3A_4 : i32
    %c0_i32 = arith.constant 0 : i32
    %c0_i32_5 = arith.constant 0 : i32
    return %select_n3A, %c0_i32 : i32, i32
  }
  func.func @transform_2(%arg0: i32) -> (i32, i32, i32) {
    %lt3A = arith.constant 25 : i32
    %lt3A_0 = arith.cmpi slt, %arg0, %lt3A : i32
    %mul3A = arith.constant 2 : i32
    %mul3A_1 = arith.muli %mul3A, %arg0 : i32
    %add3A = arith.constant 25 : i32
    %add3A_2 = arith.addi %add3A, %arg0 : i32
    %select_n3A = arith.select %lt3A_0, %mul3A_1, %add3A_2 : i32
    %c0_i32 = arith.constant 0 : i32
    %c0_i32_3 = arith.constant 0 : i32
    %c0_i32_4 = arith.constant 0 : i32
    return %select_n3A, %c0_i32, %c0_i32_3 : i32, i32, i32
  }
  func.func @transform_3(%arg0: i32) -> (i32, i32, i32) {
    %lt3A = arith.constant 25 : i32
    %lt3A_0 = arith.cmpi slt, %arg0, %lt3A : i32
    %mul3A = arith.constant 2 : i32
    %mul3A_1 = arith.muli %mul3A, %arg0 : i32
    %add3A = arith.constant 1 : i32
    %add3A_2 = arith.addi %mul3A_1, %add3A : i32
    %add3A_3 = arith.constant 25 : i32
    %add3A_4 = arith.addi %add3A_3, %arg0 : i32
    %select_n3A = arith.select %lt3A_0, %add3A_2, %add3A_4 : i32
    %c0_i32 = arith.constant 0 : i32
    %c0_i32_5 = arith.constant 0 : i32
    %c0_i32_6 = arith.constant 0 : i32
    return %select_n3A, %c0_i32, %c0_i32_5 : i32, i32, i32
  }
  func.func @transform_4(%arg0: i32) -> (i32, i32) {
    %c0_i32 = arith.constant 0 : i32
    %c0_i32_0 = arith.constant 0 : i32
    return %arg0, %c0_i32 : i32, i32
  }
}

module attributes {stable_mosaic.version = 14 : i64} {
  func.func @body(%arg0: i32, %arg1: i32, %arg2: memref<2048x128xf32, #tpu.memory_space<vmem>>, %arg3: memref<2048x128xf32, #tpu.memory_space<vmem>>, %arg4: memref<2048x128xf32, #tpu.memory_space<vmem>>, %arg5: memref<2048x128xf32, #tpu.memory_space<vmem>>, %arg6: memref<2048x128xf32, #tpu.memory_space<vmem>>, %arg7: memref<2048x128xf32, #tpu.memory_space<vmem>>, %arg8: memref<2048x128xf32, #tpu.memory_space<vmem>>, %arg9: memref<2048x128xf32, #tpu.memory_space<vmem>>, %arg10: memref<2048x128xf32, #tpu.memory_space<vmem>>, %arg11: memref<1408x128xf32, #tpu.memory_space<vmem>>, %arg12: memref<1x128xf32, #tpu.memory_space<vmem>>, %arg13: memref<2048x1408xf32, #tpu.memory_space<vmem>>) attributes {dimension_semantics = [#tpu.dimension_semantics<arbitrary>, #tpu.dimension_semantics<arbitrary>], iteration_bounds = array<i64: 2, 25>, scalar_prefetch = 0 : i64, scratch_operands = 1 : i64, tpu.core_type = #tpu.core_type<tc>, window_params = [{transform_indices = @transform_0, window_bounds = array<i64: 2048, 128>}, {transform_indices = @transform_1, window_bounds = array<i64: 2048, 128>}, {transform_indices = @transform_2, window_bounds = array<i64: 2048, 128>}, {transform_indices = @transform_3, window_bounds = array<i64: 2048, 128>}, {transform_indices = @transform_4, window_bounds = array<i64: 2048, 128>}, {transform_indices = @transform_5, window_bounds = array<i64: 2048, 128>}, {transform_indices = @transform_6, window_bounds = array<i64: 2048, 128>}, {transform_indices = @transform_7, window_bounds = array<i64: 2048, 128>}, {transform_indices = @transform_8, window_bounds = array<i64: 2048, 128>}, {pipeline_mode = #tpu.pipeline_mode<synchronous>, transform_indices = @transform_9, window_bounds = array<i64: 1408, 128>}, {pipeline_mode = #tpu.pipeline_mode<synchronous>, transform_indices = @transform_10, window_bounds = array<i64: 1, 128>}]} {
    %get3A = arith.constant 0 : index
    %get3A_0 = arith.constant 0 : index
    %get3A_1 = vector.load %arg2[%get3A, %get3A_0] : memref<2048x128xf32, #tpu.memory_space<vmem>>, vector<2048x128xf32>
    %get3A_2 = arith.constant 0 : index
    %get3A_3 = arith.constant 0 : index
    %get3A_4 = vector.load %arg3[%get3A_2, %get3A_3] : memref<2048x128xf32, #tpu.memory_space<vmem>>, vector<2048x128xf32>
    %mul3A = arith.mulf %get3A_1, %get3A_4 : vector<2048x128xf32>
    %get3A_5 = arith.constant 0 : index
    %get3A_6 = arith.constant 0 : index
    %get3A_7 = vector.load %arg4[%get3A_5, %get3A_6] : memref<2048x128xf32, #tpu.memory_space<vmem>>, vector<2048x128xf32>
    %mul3A_8 = arith.mulf %get3A_1, %get3A_7 : vector<2048x128xf32>
    %roll3A = arith.constant 64 : i32
    %roll3A_9 = tpu.dynamic_rotate %get3A_1 by %roll3A dim 1 : vector<2048x128xf32>, i32 -> vector<2048x128xf32>
    %mul3A_10 = arith.mulf %get3A_1, %roll3A_9 : vector<2048x128xf32>
    %get3A_11 = arith.constant 0 : index
    %get3A_12 = arith.constant 0 : index
    %get3A_13 = vector.load %arg3[%get3A_11, %get3A_12] : memref<2048x128xf32, #tpu.memory_space<vmem>>, vector<2048x128xf32>
    %roll3A_14 = arith.constant 64 : i32
    %roll3A_15 = tpu.dynamic_rotate %get3A_13 by %roll3A_14 dim 1 : vector<2048x128xf32>, i32 -> vector<2048x128xf32>
    %mul3A_16 = arith.mulf %get3A_1, %roll3A_15 : vector<2048x128xf32>
    %get3A_17 = arith.constant 0 : index
    %get3A_18 = arith.constant 0 : index
    %get3A_19 = vector.load %arg4[%get3A_17, %get3A_18] : memref<2048x128xf32, #tpu.memory_space<vmem>>, vector<2048x128xf32>
    %roll3A_20 = arith.constant 64 : i32
    %roll3A_21 = tpu.dynamic_rotate %get3A_19 by %roll3A_20 dim 1 : vector<2048x128xf32>, i32 -> vector<2048x128xf32>
    %mul3A_22 = arith.mulf %get3A_1, %roll3A_21 : vector<2048x128xf32>
    %get3A_23 = arith.constant 0 : index
    %get3A_24 = arith.constant 0 : index
    %get3A_25 = vector.load %arg5[%get3A_23, %get3A_24] : memref<2048x128xf32, #tpu.memory_space<vmem>>, vector<2048x128xf32>
    %roll3A_26 = arith.constant 64 : i32
    %roll3A_27 = tpu.dynamic_rotate %get3A_25 by %roll3A_26 dim 1 : vector<2048x128xf32>, i32 -> vector<2048x128xf32>
    %mul3A_28 = arith.mulf %get3A_1, %roll3A_27 : vector<2048x128xf32>
    %get3A_29 = arith.constant 0 : index
    %get3A_30 = arith.constant 0 : index
    %get3A_31 = vector.load %arg6[%get3A_29, %get3A_30] : memref<2048x128xf32, #tpu.memory_space<vmem>>, vector<2048x128xf32>
    %mul3A_32 = arith.mulf %get3A_1, %get3A_31 : vector<2048x128xf32>
    %get3A_33 = arith.constant 0 : index
    %get3A_34 = arith.constant 0 : index
    %get3A_35 = vector.load %arg7[%get3A_33, %get3A_34] : memref<2048x128xf32, #tpu.memory_space<vmem>>, vector<2048x128xf32>
    %mul3A_36 = arith.mulf %get3A_1, %get3A_35 : vector<2048x128xf32>
    %get3A_37 = arith.constant 0 : index
    %get3A_38 = arith.constant 0 : index
    %get3A_39 = vector.load %arg8[%get3A_37, %get3A_38] : memref<2048x128xf32, #tpu.memory_space<vmem>>, vector<2048x128xf32>
    %mul3A_40 = arith.mulf %get3A_1, %get3A_39 : vector<2048x128xf32>
    %get3A_41 = arith.constant 0 : index
    %get3A_42 = arith.constant 0 : index
    %get3A_43 = vector.load %arg9[%get3A_41, %get3A_42] : memref<2048x128xf32, #tpu.memory_space<vmem>>, vector<2048x128xf32>
    %mul3A_44 = arith.mulf %get3A_1, %get3A_43 : vector<2048x128xf32>
    %get3A_45 = arith.constant 0 : index
    %get3A_46 = arith.constant 0 : index
    %get3A_47 = vector.load %arg10[%get3A_45, %get3A_46] : memref<2048x128xf32, #tpu.memory_space<vmem>>, vector<2048x128xf32>
    %mul3A_48 = arith.mulf %get3A_1, %get3A_47 : vector<2048x128xf32>
    %swap3A = arith.constant 0 : index
    %swap3A_49 = arith.constant 0 : index
    %swap3A_50 = vector.load %arg13[%swap3A, %swap3A_49] : memref<2048x1408xf32, #tpu.memory_space<vmem>>, vector<2048x128xf32>
    tpu.vector_store %arg13[%swap3A, %swap3A_49], %mul3A {strides = array<i32>} : memref<2048x1408xf32, #tpu.memory_space<vmem>>, vector<2048x128xf32>,
    %swap3A_51 = arith.constant 0 : index
    %swap3A_52 = arith.constant 128 : index
    %swap3A_53 = vector.load %arg13[%swap3A_51, %swap3A_52] : memref<2048x1408xf32, #tpu.memory_space<vmem>>, vector<2048x128xf32>
    tpu.vector_store %arg13[%swap3A_51, %swap3A_52], %mul3A_8 {strides = array<i32>} : memref<2048x1408xf32, #tpu.memory_space<vmem>>, vector<2048x128xf32>,
    %swap3A_54 = arith.constant 0 : index
    %swap3A_55 = arith.constant 256 : index
    %swap3A_56 = vector.load %arg13[%swap3A_54, %swap3A_55] : memref<2048x1408xf32, #tpu.memory_space<vmem>>, vector<2048x128xf32>
    tpu.vector_store %arg13[%swap3A_54, %swap3A_55], %mul3A_10 {strides = array<i32>} : memref<2048x1408xf32, #tpu.memory_space<vmem>>, vector<2048x128xf32>,
    %swap3A_57 = arith.constant 0 : index
    %swap3A_58 = arith.constant 384 : index
    %swap3A_59 = vector.load %arg13[%swap3A_57, %swap3A_58] : memref<2048x1408xf32, #tpu.memory_space<vmem>>, vector<2048x128xf32>
    tpu.vector_store %arg13[%swap3A_57, %swap3A_58], %mul3A_16 {strides = array<i32>} : memref<2048x1408xf32, #tpu.memory_space<vmem>>, vector<2048x128xf32>,
    %swap3A_60 = arith.constant 0 : index
    %swap3A_61 = arith.constant 512 : index
    %swap3A_62 = vector.load %arg13[%swap3A_60, %swap3A_61] : memref<2048x1408xf32, #tpu.memory_space<vmem>>, vector<2048x128xf32>
    tpu.vector_store %arg13[%swap3A_60, %swap3A_61], %mul3A_22 {strides = array<i32>} : memref<2048x1408xf32, #tpu.memory_space<vmem>>, vector<2048x128xf32>,
    %swap3A_63 = arith.constant 0 : index
    %swap3A_64 = arith.constant 640 : index
    %swap3A_65 = vector.load %arg13[%swap3A_63, %swap3A_64] : memref<2048x1408xf32, #tpu.memory_space<vmem>>, vector<2048x128xf32>
    tpu.vector_store %arg13[%swap3A_63, %swap3A_64], %mul3A_28 {strides = array<i32>} : memref<2048x1408xf32, #tpu.memory_space<vmem>>, vector<2048x128xf32>,
    %swap3A_66 = arith.constant 0 : index
    %swap3A_67 = arith.constant 768 : index
    %swap3A_68 = vector.load %arg13[%swap3A_66, %swap3A_67] : memref<2048x1408xf32, #tpu.memory_space<vmem>>, vector<2048x128xf32>
    tpu.vector_store %arg13[%swap3A_66, %swap3A_67], %mul3A_32 {strides = array<i32>} : memref<2048x1408xf32, #tpu.memory_space<vmem>>, vector<2048x128xf32>,
    %swap3A_69 = arith.constant 0 : index
    %swap3A_70 = arith.constant 896 : index
    %swap3A_71 = vector.load %arg13[%swap3A_69, %swap3A_70] : memref<2048x1408xf32, #tpu.memory_space<vmem>>, vector<2048x128xf32>
    tpu.vector_store %arg13[%swap3A_69, %swap3A_70], %mul3A_36 {strides = array<i32>} : memref<2048x1408xf32, #tpu.memory_space<vmem>>, vector<2048x128xf32>,
    %swap3A_72 = arith.constant 0 : index
    %swap3A_73 = arith.constant 1024 : index
    %swap3A_74 = vector.load %arg13[%swap3A_72, %swap3A_73] : memref<2048x1408xf32, #tpu.memory_space<vmem>>, vector<2048x128xf32>
    tpu.vector_store %arg13[%swap3A_72, %swap3A_73], %mul3A_40 {strides = array<i32>} : memref<2048x1408xf32, #tpu.memory_space<vmem>>, vector<2048x128xf32>,
    %swap3A_75 = arith.constant 0 : index
    %swap3A_76 = arith.constant 1152 : index
    %swap3A_77 = vector.load %arg13[%swap3A_75, %swap3A_76] : memref<2048x1408xf32, #tpu.memory_space<vmem>>, vector<2048x128xf32>
    tpu.vector_store %arg13[%swap3A_75, %swap3A_76], %mul3A_44 {strides = array<i32>} : memref<2048x1408xf32, #tpu.memory_space<vmem>>, vector<2048x128xf32>,
    %swap3A_78 = arith.constant 0 : index
    %swap3A_79 = arith.constant 1280 : index
    %swap3A_80 = vector.load %arg13[%swap3A_78, %swap3A_79] : memref<2048x1408xf32, #tpu.memory_space<vmem>>, vector<2048x128xf32>
    tpu.vector_store %arg13[%swap3A_78, %swap3A_79], %mul3A_48 {strides = array<i32>} : memref<2048x1408xf32, #tpu.memory_space<vmem>>, vector<2048x128xf32>,
    %get3A_81 = arith.constant 0 : index
    %get3A_82 = arith.constant 0 : index
    %get3A_83 = vector.load %arg13[%get3A_81, %get3A_82] : memref<2048x1408xf32, #tpu.memory_space<vmem>>, vector<2048x1408xf32>
    %get3A_84 = arith.constant 0 : index
    %get3A_85 = arith.constant 0 : index
    %get3A_86 = vector.load %arg11[%get3A_84, %get3A_85] : memref<1408x128xf32, #tpu.memory_space<vmem>>, vector<1408x128xf32>
    %dot_general3A = arith.constant dense<0.000000e+00> : vector<2048x128xf32>
    %dot_general3A_87 = tpu.matmul %get3A_83, %get3A_86, %dot_general3A {dimension_numbers = #tpu.dot_dimension_numbers<[1], [0], [0], [1], [0, 0, 1, 1], [], []>, transpose_lhs_hint = false} : vector<2048x1408xf32>, vector<1408x128xf32>, vector<2048x128xf32> -> vector<2048x128xf32>
    %logistic3A = arith.negf %dot_general3A_87 : vector<2048x128xf32>
    %logistic3A_88 = math.exp %logistic3A : vector<2048x128xf32>
    %logistic3A_89 = arith.constant 1.000000e+00 : f32
    %logistic3A_90 = vector.broadcast %logistic3A_89 : f32 to vector<2048x128xf32>
    %logistic3A_91 = arith.addf %logistic3A_90, %logistic3A_88 : vector<2048x128xf32>
    %logistic3A_92 = arith.divf %logistic3A_90, %logistic3A_91 : vector<2048x128xf32>
    %gt3A = arith.constant 0.000000e+00 : f32
    %gt3A_93 = vector.broadcast %gt3A : f32 to vector<2048x128xf32>
    %gt3A_94 = arith.cmpf ogt, %logistic3A_92, %gt3A_93 : vector<2048x128xf32>
    %gt3A_95 = arith.constant 0.000000e+00 : f32
    %gt3A_96 = vector.broadcast %gt3A_95 : f32 to vector<2048x128xf32>
    %gt3A_97 = arith.cmpf ogt, %logistic3A_92, %gt3A_96 : vector<2048x128xf32>
    %jit3A = arith.constant 1.000000e+00 : f32
    %broadcast_in_dim3A = vector.broadcast %jit3A : f32 to vector<2048x128xf32>
    %select_n3A = arith.select %gt3A_97, %logistic3A_92, %broadcast_in_dim3A : vector<2048x128xi1>, vector<2048x128xf32>
    %log3A = math.log %select_n3A : vector<2048x128xf32>
    %neg3A = arith.constant 0.000000e+00 : f32
    %neg3A_98 = vector.broadcast %neg3A : f32 to vector<2048x128xf32>
    %neg3A_99 = arith.subf %neg3A_98, %log3A : vector<2048x128xf32>
    %jit3A_100 = arith.constant 1.000000e+02 : f32
    %broadcast_in_dim3A_101 = vector.broadcast %jit3A_100 : f32 to vector<2048x128xf32>
    %select_n3A_102 = arith.select %gt3A_94, %neg3A_99, %broadcast_in_dim3A_101 : vector<2048x128xi1>, vector<2048x128xf32>
    %sub3A = arith.constant 1.000000e+00 : f32
    %sub3A_103 = vector.broadcast %sub3A : f32 to vector<2048x128xf32>
    %sub3A_104 = arith.subf %sub3A_103, %logistic3A_92 : vector<2048x128xf32>
    %gt3A_105 = arith.constant 0.000000e+00 : f32
    %gt3A_106 = vector.broadcast %gt3A_105 : f32 to vector<2048x128xf32>
    %gt3A_107 = arith.cmpf ogt, %sub3A_104, %gt3A_106 : vector<2048x128xf32>
    %gt3A_108 = arith.constant 0.000000e+00 : f32
    %gt3A_109 = vector.broadcast %gt3A_108 : f32 to vector<2048x128xf32>
    %gt3A_110 = arith.cmpf ogt, %sub3A_104, %gt3A_109 : vector<2048x128xf32>
    %jit3A_111 = arith.constant 1.000000e+00 : f32
    %broadcast_in_dim3A_112 = vector.broadcast %jit3A_111 : f32 to vector<2048x128xf32>
    %select_n3A_113 = arith.select %gt3A_110, %sub3A_104, %broadcast_in_dim3A_112 : vector<2048x128xi1>, vector<2048x128xf32>
    %log3A_114 = math.log %select_n3A_113 : vector<2048x128xf32>
    %neg3A_115 = arith.constant 0.000000e+00 : f32
    %neg3A_116 = vector.broadcast %neg3A_115 : f32 to vector<2048x128xf32>
    %neg3A_117 = arith.subf %neg3A_116, %log3A_114 : vector<2048x128xf32>
    %jit3A_118 = arith.constant 1.000000e+02 : f32
    %broadcast_in_dim3A_119 = vector.broadcast %jit3A_118 : f32 to vector<2048x128xf32>
    %select_n3A_120 = arith.select %gt3A_107, %neg3A_117, %broadcast_in_dim3A_119 : vector<2048x128xi1>, vector<2048x128xf32>
    %iota3A = tpu.iota {dimensions = array<i32: 1>} : vector<1x128xi32>
    %broadcast_in_dim3A_121 = arith.constant -1 : i32
    %broadcast_in_dim3A_122 = vector.broadcast %broadcast_in_dim3A_121 : i32 to vector<1x128xi32>
    %eq3A = arith.constant 0 : i32
    %eq3A_123 = vector.broadcast %eq3A : i32 to vector<1x128xi32>
    %eq3A_124 = arith.cmpi eq, %iota3A, %eq3A_123 : vector<1x128xi32>
    %jit3A_125 = arith.constant 23 : i32
    %broadcast_in_dim3A_126 = vector.broadcast %jit3A_125 : i32 to vector<1x128xi32>
    %select_n3A_127 = arith.select %eq3A_124, %broadcast_in_dim3A_126, %broadcast_in_dim3A_122 : vector<1x128xi1>, vector<1x128xi32>
    %eq3A_128 = arith.constant 1 : i32
    %eq3A_129 = vector.broadcast %eq3A_128 : i32 to vector<1x128xi32>
    %eq3A_130 = arith.cmpi eq, %iota3A, %eq3A_129 : vector<1x128xi32>
    %jit3A_131 = arith.constant 23 : i32
    %broadcast_in_dim3A_132 = vector.broadcast %jit3A_131 : i32 to vector<1x128xi32>
    %select_n3A_133 = arith.select %eq3A_130, %broadcast_in_dim3A_132, %select_n3A_127 : vector<1x128xi1>, vector<1x128xi32>
    %eq3A_134 = arith.constant 2 : i32
    %eq3A_135 = vector.broadcast %eq3A_134 : i32 to vector<1x128xi32>
    %eq3A_136 = arith.cmpi eq, %iota3A, %eq3A_135 : vector<1x128xi32>
    %jit3A_137 = arith.constant 22 : i32
    %broadcast_in_dim3A_138 = vector.broadcast %jit3A_137 : i32 to vector<1x128xi32>
    %select_n3A_139 = arith.select %eq3A_136, %broadcast_in_dim3A_138, %select_n3A_133 : vector<1x128xi1>, vector<1x128xi32>
    %eq3A_140 = arith.constant 3 : i32
    %eq3A_141 = vector.broadcast %eq3A_140 : i32 to vector<1x128xi32>
    %eq3A_142 = arith.cmpi eq, %iota3A, %eq3A_141 : vector<1x128xi32>
    %jit3A_143 = arith.constant 22 : i32
    %broadcast_in_dim3A_144 = vector.broadcast %jit3A_143 : i32 to vector<1x128xi32>
    %select_n3A_145 = arith.select %eq3A_142, %broadcast_in_dim3A_144, %select_n3A_139 : vector<1x128xi1>, vector<1x128xi32>
    %eq3A_146 = arith.constant 4 : i32
    %eq3A_147 = vector.broadcast %eq3A_146 : i32 to vector<1x128xi32>
    %eq3A_148 = arith.cmpi eq, %iota3A, %eq3A_147 : vector<1x128xi32>
    %jit3A_149 = arith.constant 24 : i32
    %broadcast_in_dim3A_150 = vector.broadcast %jit3A_149 : i32 to vector<1x128xi32>
    %select_n3A_151 = arith.select %eq3A_148, %broadcast_in_dim3A_150, %select_n3A_145 : vector<1x128xi1>, vector<1x128xi32>
    %eq3A_152 = arith.constant 5 : i32
    %eq3A_153 = vector.broadcast %eq3A_152 : i32 to vector<1x128xi32>
    %eq3A_154 = arith.cmpi eq, %iota3A, %eq3A_153 : vector<1x128xi32>
    %jit3A_155 = arith.constant -1 : i32
    %broadcast_in_dim3A_156 = vector.broadcast %jit3A_155 : i32 to vector<1x128xi32>
    %select_n3A_157 = arith.select %eq3A_154, %broadcast_in_dim3A_156, %select_n3A_151 : vector<1x128xi1>, vector<1x128xi32>
    %eq3A_158 = arith.constant 6 : i32
    %eq3A_159 = vector.broadcast %eq3A_158 : i32 to vector<1x128xi32>
    %eq3A_160 = arith.cmpi eq, %iota3A, %eq3A_159 : vector<1x128xi32>
    %jit3A_161 = arith.constant 23 : i32
    %broadcast_in_dim3A_162 = vector.broadcast %jit3A_161 : i32 to vector<1x128xi32>
    %select_n3A_163 = arith.select %eq3A_160, %broadcast_in_dim3A_162, %select_n3A_157 : vector<1x128xi1>, vector<1x128xi32>
    %eq3A_164 = arith.constant 7 : i32
    %eq3A_165 = vector.broadcast %eq3A_164 : i32 to vector<1x128xi32>
    %eq3A_166 = arith.cmpi eq, %iota3A, %eq3A_165 : vector<1x128xi32>
    %jit3A_167 = arith.constant 23 : i32
    %broadcast_in_dim3A_168 = vector.broadcast %jit3A_167 : i32 to vector<1x128xi32>
    %select_n3A_169 = arith.select %eq3A_166, %broadcast_in_dim3A_168, %select_n3A_163 : vector<1x128xi1>, vector<1x128xi32>
    %eq3A_170 = arith.constant 8 : i32
    %eq3A_171 = vector.broadcast %eq3A_170 : i32 to vector<1x128xi32>
    %eq3A_172 = arith.cmpi eq, %iota3A, %eq3A_171 : vector<1x128xi32>
    %jit3A_173 = arith.constant 22 : i32
    %broadcast_in_dim3A_174 = vector.broadcast %jit3A_173 : i32 to vector<1x128xi32>
    %select_n3A_175 = arith.select %eq3A_172, %broadcast_in_dim3A_174, %select_n3A_169 : vector<1x128xi1>, vector<1x128xi32>
    %eq3A_176 = arith.constant 9 : i32
    %eq3A_177 = vector.broadcast %eq3A_176 : i32 to vector<1x128xi32>
    %eq3A_178 = arith.cmpi eq, %iota3A, %eq3A_177 : vector<1x128xi32>
    %jit3A_179 = arith.constant 22 : i32
    %broadcast_in_dim3A_180 = vector.broadcast %jit3A_179 : i32 to vector<1x128xi32>
    %select_n3A_181 = arith.select %eq3A_178, %broadcast_in_dim3A_180, %select_n3A_175 : vector<1x128xi1>, vector<1x128xi32>
    %eq3A_182 = arith.constant 10 : i32
    %eq3A_183 = vector.broadcast %eq3A_182 : i32 to vector<1x128xi32>
    %eq3A_184 = arith.cmpi eq, %iota3A, %eq3A_183 : vector<1x128xi32>
    %jit3A_185 = arith.constant -1 : i32
    %broadcast_in_dim3A_186 = vector.broadcast %jit3A_185 : i32 to vector<1x128xi32>
    %select_n3A_187 = arith.select %eq3A_184, %broadcast_in_dim3A_186, %select_n3A_181 : vector<1x128xi1>, vector<1x128xi32>
    %eq3A_188 = arith.constant 11 : i32
    %eq3A_189 = vector.broadcast %eq3A_188 : i32 to vector<1x128xi32>
    %eq3A_190 = arith.cmpi eq, %iota3A, %eq3A_189 : vector<1x128xi32>
    %jit3A_191 = arith.constant 21 : i32
    %broadcast_in_dim3A_192 = vector.broadcast %jit3A_191 : i32 to vector<1x128xi32>
    %select_n3A_193 = arith.select %eq3A_190, %broadcast_in_dim3A_192, %select_n3A_187 : vector<1x128xi1>, vector<1x128xi32>
    %lt3A = arith.constant 12 : i32
    %lt3A_194 = vector.broadcast %lt3A : i32 to vector<1x128xi32>
    %lt3A_195 = arith.cmpi slt, %iota3A, %lt3A_194 : vector<1x128xi32>
    %ge3A = arith.constant 12 : i32
    %ge3A_196 = vector.broadcast %ge3A : i32 to vector<1x128xi32>
    %ge3A_197 = arith.cmpi sge, %iota3A, %ge3A_196 : vector<1x128xi32>
    %lt3A_198 = arith.constant 22 : i32
    %lt3A_199 = vector.broadcast %lt3A_198 : i32 to vector<1x128xi32>
    %lt3A_200 = arith.cmpi slt, %iota3A, %lt3A_199 : vector<1x128xi32>
    %and3A = arith.andi %ge3A_197, %lt3A_200 : vector<1x128xi1>
    %le3A = vector.broadcast %arg1 : i32 to vector<1x128xi32>
    %le3A_201 = arith.cmpi sle, %le3A, %select_n3A_193 : vector<1x128xi32>
    %and3A_202 = arith.andi %lt3A_195, %le3A_201 : vector<1x128xi1>
    %jit3A_203 = arith.constant 1.000000e+00 : f32
    %jit3A_204 = arith.constant 0.000000e+00 : f32
    %broadcast_in_dim3A_205 = vector.broadcast %jit3A_203 : f32 to vector<1x128xf32>
    %broadcast_in_dim3A_206 = vector.broadcast %jit3A_204 : f32 to vector<1x128xf32>
    %select_n3A_207 = arith.select %and3A, %broadcast_in_dim3A_205, %broadcast_in_dim3A_206 : vector<1x128xi1>, vector<1x128xf32>
    %jit3A_208 = arith.constant 2.000000e+00 : f32
    %broadcast_in_dim3A_209 = vector.broadcast %jit3A_208 : f32 to vector<1x128xf32>
    %select_n3A_210 = arith.select %and3A_202, %broadcast_in_dim3A_209, %select_n3A_207 : vector<1x128xi1>, vector<1x128xf32>
    %broadcast_in_dim3A_211 = vector.shape_cast %lt3A_195 : vector<1x128xi1> to vector<1x128xi1>
    %broadcast_in_dim3A_212 = vector.broadcast %broadcast_in_dim3A_211 : vector<1x128xi1> to vector<2048x128xi1>
    %select_n3A_213 = arith.select %broadcast_in_dim3A_212, %select_n3A_102, %select_n3A_120 : vector<2048x128xi1>, vector<2048x128xf32>
    %mul3A_214 = vector.broadcast %select_n3A_210 : vector<1x128xf32> to vector<2048x128xf32>
    %mul3A_215 = arith.mulf %select_n3A_213, %mul3A_214 : vector<2048x128xf32>
    %reduce_sum3A = arith.constant dense<0.000000e+00> : vector<128xf32>
    %reduce_sum3A_216 = vector.multi_reduction <add>, %mul3A_215, %reduce_sum3A [0] : vector<2048x128xf32> to vector<128xf32>
    %broadcast_in_dim3A_217 = vector.shape_cast %reduce_sum3A_216 : vector<128xf32> to vector<1x128xf32>
    %eq3A_218 = arith.constant 0 : i32
    %eq3A_219 = arith.cmpi eq, %arg0, %eq3A_218 : i32
    %eq3A_220 = arith.constant 0 : i32
    %eq3A_221 = arith.cmpi eq, %arg1, %eq3A_220 : i32
    %and3A_222 = arith.andi %eq3A_219, %eq3A_221 : i1
    %convert_element_type3A = arith.extui %and3A_222 : i1 to i32
    %cond3A = arith.constant 0 : i32
    %cond3A_223 = arith.cmpi ne, %convert_element_type3A, %cond3A : i32
    scf.if %cond3A_223 {
      %broadcast_in_dim3A_230 = arith.constant 0.000000e+00 : f32
      %broadcast_in_dim3A_231 = vector.broadcast %broadcast_in_dim3A_230 : f32 to vector<1x128xf32>
      %swap3A_232 = arith.constant 0 : index
      %swap3A_233 = arith.constant 0 : index
      %swap3A_234 = vector.load %arg12[%swap3A_232, %swap3A_233] : memref<1x128xf32, #tpu.memory_space<vmem>>, vector<1x128xf32>
      tpu.vector_store %arg12[%swap3A_232, %swap3A_233], %broadcast_in_dim3A_231 {strides = array<i32>} : memref<1x128xf32, #tpu.memory_space<vmem>>, vector<1x128xf32>,
    } else {
    }
    %get3A_224 = arith.constant 0 : index
    %get3A_225 = arith.constant 0 : index
    %get3A_226 = vector.load %arg12[%get3A_224, %get3A_225] : memref<1x128xf32, #tpu.memory_space<vmem>>, vector<1x128xf32>
    %add3A = arith.addf %get3A_226, %broadcast_in_dim3A_217 : vector<1x128xf32>
    %swap3A_227 = arith.constant 0 : index
    %swap3A_228 = arith.constant 0 : index
    %swap3A_229 = vector.load %arg12[%swap3A_227, %swap3A_228] : memref<1x128xf32, #tpu.memory_space<vmem>>, vector<1x128xf32>
    tpu.vector_store %arg12[%swap3A_227, %swap3A_228], %add3A {strides = array<i32>} : memref<1x128xf32, #tpu.memory_space<vmem>>, vector<1x128xf32>,
    return
  }
  func.func @transform_0(%arg0: i32, %arg1: i32) -> (i32, i32) {
    %mul3A = arith.constant 2 : i32
    %mul3A_0 = arith.muli %arg1, %mul3A : i32
    %add3A = arith.addi %mul3A_0, %arg0 : i32
    %c0_i32 = arith.constant 0 : i32
    %c0_i32_1 = arith.constant 0 : i32
    return %add3A, %c0_i32 : i32, i32
  }
  func.func @transform_1(%arg0: i32, %arg1: i32) -> (i32, i32) {
    %add3A = arith.constant 1 : i32
    %add3A_0 = arith.addi %arg1, %add3A : i32
    %min3A = arith.constant 24 : i32
    %min3A_1 = arith.minsi %add3A_0, %min3A : i32
    %mul3A = arith.constant 2 : i32
    %mul3A_2 = arith.muli %min3A_1, %mul3A : i32
    %add3A_3 = arith.addi %mul3A_2, %arg0 : i32
    %c0_i32 = arith.constant 0 : i32
    %c0_i32_4 = arith.constant 0 : i32
    return %add3A_3, %c0_i32 : i32, i32
  }
  func.func @transform_2(%arg0: i32, %arg1: i32) -> (i32, i32) {
    %add3A = arith.constant 2 : i32
    %add3A_0 = arith.addi %arg1, %add3A : i32
    %min3A = arith.constant 24 : i32
    %min3A_1 = arith.minsi %add3A_0, %min3A : i32
    %mul3A = arith.constant 2 : i32
    %mul3A_2 = arith.muli %min3A_1, %mul3A : i32
    %add3A_3 = arith.addi %mul3A_2, %arg0 : i32
    %c0_i32 = arith.constant 0 : i32
    %c0_i32_4 = arith.constant 0 : i32
    return %add3A_3, %c0_i32 : i32, i32
  }
  func.func @transform_3(%arg0: i32, %arg1: i32) -> (i32, i32) {
    %add3A = arith.constant 3 : i32
    %add3A_0 = arith.addi %arg1, %add3A : i32
    %min3A = arith.constant 24 : i32
    %min3A_1 = arith.minsi %add3A_0, %min3A : i32
    %mul3A = arith.constant 2 : i32
    %mul3A_2 = arith.muli %min3A_1, %mul3A : i32
    %add3A_3 = arith.addi %mul3A_2, %arg0 : i32
    %c0_i32 = arith.constant 0 : i32
    %c0_i32_4 = arith.constant 0 : i32
    return %add3A_3, %c0_i32 : i32, i32
  }
  func.func @transform_4(%arg0: i32, %arg1: i32) -> (i32, i32) {
    %add3A = arith.constant 50 : i32
    %add3A_0 = arith.addi %add3A, %arg0 : i32
    %c0_i32 = arith.constant 0 : i32
    %c0_i32_1 = arith.constant 0 : i32
    return %add3A_0, %c0_i32 : i32, i32
  }
  func.func @transform_5(%arg0: i32, %arg1: i32) -> (i32, i32) {
    %add3A = arith.constant 52 : i32
    %add3A_0 = arith.addi %add3A, %arg0 : i32
    %c0_i32 = arith.constant 0 : i32
    %c0_i32_1 = arith.constant 0 : i32
    return %add3A_0, %c0_i32 : i32, i32
  }
  func.func @transform_6(%arg0: i32, %arg1: i32) -> (i32, i32) {
    %add3A = arith.constant 54 : i32
    %add3A_0 = arith.addi %add3A, %arg0 : i32
    %c0_i32 = arith.constant 0 : i32
    %c0_i32_1 = arith.constant 0 : i32
    return %add3A_0, %c0_i32 : i32, i32
  }
  func.func @transform_7(%arg0: i32, %arg1: i32) -> (i32, i32) {
    %add3A = arith.constant 56 : i32
    %add3A_0 = arith.addi %add3A, %arg0 : i32
    %c0_i32 = arith.constant 0 : i32
    %c0_i32_1 = arith.constant 0 : i32
    return %add3A_0, %c0_i32 : i32, i32
  }
  func.func @transform_8(%arg0: i32, %arg1: i32) -> (i32, i32) {
    %add3A = arith.constant 58 : i32
    %add3A_0 = arith.addi %add3A, %arg0 : i32
    %c0_i32 = arith.constant 0 : i32
    %c0_i32_1 = arith.constant 0 : i32
    return %add3A_0, %c0_i32 : i32, i32
  }
  func.func @transform_9(%arg0: i32, %arg1: i32) -> (i32, i32) {
    %c0_i32 = arith.constant 0 : i32
    %c0_i32_0 = arith.constant 0 : i32
    %c0_i32_1 = arith.constant 0 : i32
    return %c0_i32, %c0_i32_0 : i32, i32
  }
  func.func @transform_10(%arg0: i32, %arg1: i32) -> (i32, i32) {
    %c0_i32 = arith.constant 0 : i32
    %c0_i32_0 = arith.constant 0 : i32
    %c0_i32_1 = arith.constant 0 : i32
    return %c0_i32, %c0_i32_0 : i32, i32
  }
}

</mosaic_0001>

<sc_bundles>
// kernel: kernel.6.cloned.1.call-start
scs
__scs_entry_jumppad:
0x0: {  	(pc) =	sbr.rel $0x88, $3  }
0x1: {  	(tag) =	ssettag $0x0;
	lr =	simm.s32 $0x1  }
0x2: {  	[smem:$0x3F9F] =	sst lr;
	_ =	strace $0xD0000000  }
0x3: {  	_ = 	snop  }
0x4: {  	_ = 	snop  }
0x5: {  	_ = 	snop  }
0x6: {  	_ = 	snop  }
0x7: {  	_ = 	snop  }
__scs_overlays_trampoline_lowered:
0x8: {  	[smem:$0x3FAE] =	sst s0  }
0x9: {  	[smem:$0x3FAF] =	sst s1  }
0xa: {  	[smem:$0x3FB0] =	sst s2  }
0xb: {  	[smem:$0x3FB1] =	sst s3  }
0xc: {  	[smem:$0x3FB2] =	sst s4  }
0xd: {  	[smem:$0x3FB3] =	sst s5  }
0xe: {  	[smem:$0x3FB4] =	sst s6  }
0xf: {  	[smem:$0x3FB5] =	sst s7  }
0x10: {  	[smem:$0x3FB6] =	sst s8  }
0x11: {  	[smem:$0x3FB7] =	sst s9;
	s0 =	simm.s32 @!p0 $0x0  }
0x12: {  	s1 =	sld [smem:$0x3F9D];
	s0 =	simm.s32 @p0 $0x1  }
0x13: {  	[smem:$0x3FB8] =	sst s0;
	s0 =	simm.s32 @!p1 $0x0  }
0x14: {  	s2 =	sld [smem:$0x3F9C];
	s0 =	simm.s32 @p1 $0x1  }
0x15: {  	[smem:$0x3FB9] =	sst s0;
	s0 =	simm.s32 @!p2 $0x0  }
0x16: {  	s3 =	sld [smem:$0x3FDB];
	s0 =	simm.s32 @p2 $0x1  }
0x17: {  	s4 =	simm.s32 $0x1BF5;
	[smem:$0x3FBB] =	sst s0  }
0x18: {  	s0 =	sld [smem:$0x3F9E];
	_ =	swait.ge [sflag:s4], $0x0  }
0x19: {  	s7 =	sld [smem:$0x3F9F]  }
0x1a: {  	s8 =	sadd.s32 $0xFFFFE003, lr  }
0x1b: {  	s9 =	sadd.s32 $0xFFFFFEF7, lr;
	s5 =	simm.s32 $0xFFFFFFFF;
	p2 =	slt.u32 s8, $0xFFFFF086  }
0x1c: {  	p1 =	slt.u32 s9, $0xF7A;
	s5 =	simm.s32 @!p2 $0x0  }
0x1d: {  	s5 =	simm.s32 @p1 $0x1;
	p0 =	seq.s32 s7, s2  }
0x1e: {  	s7 =	smul.u32 @!p0 $0xF7A, s2;
	p2 =	seq.s32 @!p0 s5, $0x0  }
0x1f: {  	s9 =	smul.u32 $0xF7A, s1;
	s8 =	simm.s32 @!p0 $0x1BF5;
	p2 =	por !p2, p0  }
0x20: {  	[sflag:s8] =	ssyncset.s32 @!p0 $0xFFFFF086;
	s6 =	sadd.s32 @!p0 s3, s7;
	s7 =	simm.s32 @!p0 $0x108  }
0x21: {  	s3 =	sadd.s32 s3, s9;
	s6 =	sadd.s32 @!p0 $0x88, s6;
	s7 =	simm.s32 @p2 $0x1082  }
0x22: {  	[simem:s7], [sflag:s8] =	dma.local @!p0 [hbm:s6], $0xF7A  }
0x23: {  	s9 =	sor.u32 $0xD0000000, s2;
	s6 =	simm.s32 $0x108;
	_ =	swait.ge @!p0 [sflag:s8], $0x0  }
0x24: {  	s3 =	sadd.s32 $0x88, s3;
	s6 =	simm.s32 @!p1 $0x1082;
	[sflag:s4] =	ssyncset.s32 $0xFFFFF086  }
0x25: {  	[simem:s6], [sflag:s4] =	dma.local [hbm:s3], $0xF7A  }
0x26: {  	[smem:$0x3F9F] =	sst s1;
	(tag) =	ssettag s2;
	_ =	strace s9  }
0x27: {  	s1 =	sld [smem:$0x3FAF]  }
0x28: {  	s2 =	sld [smem:$0x3FB0]  }
0x29: {  	s4 =	sld [smem:$0x3FB2]  }
0x2a: {  	p0 =	seq.s32 s5, $0x0;
	s5 =	sld [smem:$0x3FB3]  }
0x2b: {  	s6 =	sld [smem:$0x3FB4]  }
0x2c: {  	s7 =	sld [smem:$0x3FB5]  }
0x2d: {  	s3 =	simm.s32 $0x108;
	s8 =	sld [smem:$0x3FB6]  }
0x2e: {  	s3 =	simm.s32 @!p0 $0x1082;
	s9 =	sld [smem:$0x3FB7]  }
0x2f: {  	lr =	sadd.s32 s0, s3;
	s0 =	sld [smem:$0x3FAE]  }
0x30: {  	s3 =	sld [smem:$0x3FB1]  }
0x31: {  	[smem:$0x3FBA] =	sst s10  }
0x32: {  	s10 =	sld [smem:$0x3FB8];
	_ =	sdelay $0x3  }
0x33: {  	p0 =	seq.s32 s10, $0x1;
	s10 =	sld [smem:$0x3FBA];
	_ =	sdelay $0x3  }
0x34: {  	[smem:$0x3FBA] =	sst s10  }
0x35: {  	s10 =	sld [smem:$0x3FB9];
	_ =	sdelay $0x3  }
0x36: {  	p1 =	seq.s32 s10, $0x1;
	s10 =	sld [smem:$0x3FBA];
	_ =	sdelay $0x3  }
0x37: {  	[smem:$0x3FBA] =	sst s10  }
0x38: {  	s10 =	sld [smem:$0x3FBB]  }
0x39: {  	_ = 	snop;
	(pc) =	sbr.ind lr, $3  }
0x3a: {  	_ = 	snop  }
0x3b: {  	_ = 	snop  }
0x3c: {  	p2 =	seq.s32 s10, $0x1;
	s10 =	sld [smem:$0x3FBA]  }
0x3d: {  	_ =	shalt  }
0x3e: {  	_ =	shalt  }
0x3f: {  	_ =	shalt  }
0x40: {  	_ =	shalt  }
0x41: {  	_ =	shalt  }
0x42: {  	_ =	shalt  }
0x43: {  	_ =	shalt  }
0x44: {  	_ =	shalt  }
0x45: {  	_ =	shalt  }
0x46: {  	_ =	shalt  }
0x47: {  	_ =	shalt  }
0x48: {  	_ =	shalt  }
0x49: {  	_ =	shalt  }
0x4a: {  	_ =	shalt  }
0x4b: {  	_ =	shalt  }
0x4c: {  	_ =	shalt  }
0x4d: {  	_ =	shalt  }
0x4e: {  	_ =	shalt  }
0x4f: {  	_ =	shalt  }
0x50: {  	_ =	shalt  }
0x51: {  	_ =	shalt  }
0x52: {  	_ =	shalt  }
0x53: {  	_ =	shalt  }
0x54: {  	_ =	shalt  }
0x55: {  	_ =	shalt  }
0x56: {  	_ =	shalt  }
0x57: {  	_ =	shalt  }
0x58: {  	_ =	shalt  }
0x59: {  	_ =	shalt  }
0x5a: {  	_ =	shalt  }
0x5b: {  	_ =	shalt  }
0x5c: {  	_ =	shalt  }
0x5d: {  	_ =	shalt  }
0x5e: {  	_ =	shalt  }
0x5f: {  	_ =	shalt  }
0x60: {  	_ =	shalt  }
0x61: {  	_ =	shalt  }
0x62: {  	_ =	shalt  }
0x63: {  	_ =	shalt  }
0x64: {  	_ =	shalt  }
0x65: {  	_ =	shalt  }
0x66: {  	_ =	shalt  }
0x67: {  	_ =	shalt  }
0x68: {  	_ =	shalt  }
0x69: {  	_ =	shalt  }
0x6a: {  	_ =	shalt  }
0x6b: {  	_ =	shalt  }
0x6c: {  	_ =	shalt  }
0x6d: {  	_ =	shalt  }
0x6e: {  	_ =	shalt  }
0x6f: {  	_ =	shalt  }
0x70: {  	_ =	shalt  }
0x71: {  	_ =	shalt  }
0x72: {  	_ =	shalt  }
0x73: {  	_ =	shalt  }
0x74: {  	_ =	shalt  }
0x75: {  	_ =	shalt  }
0x76: {  	_ =	shalt  }
0x77: {  	_ =	shalt  }
0x78: {  	_ =	shalt  }
0x79: {  	_ =	shalt  }
0x7a: {  	_ =	shalt  }
0x7b: {  	_ =	shalt  }
0x7c: {  	_ =	shalt  }
0x7d: {  	_ =	shalt  }
0x7e: {  	_ =	shalt  }
0x7f: {  	_ =	shalt  }
0x80: {  	_ =	shalt  }
0x81: {  	_ =	shalt  }
0x82: {  	_ =	shalt  }
0x83: {  	_ =	shalt  }
0x84: {  	_ =	shalt  }
0x85: {  	_ =	shalt  }
0x86: {  	_ =	shalt  }
0x87: {  	_ =	shalt  }
.Lfunc_end0:
.L_simem_size_0:
called_computation_lowered:
.L_overlay_start_0:
0x88: {  	s2 =	sld [smem:$0x3FD9]  }
0x89: {  	s3 =	sld [smem:$0x3FFE];
	_ =	sdelay $0x1  }
0x8a: {  	s1 =	srdreg.scid  }
0x8b: {  	s0 =	sand.u32 $0x1, s1  }
0x8c: {  	s16 =	sshll.u32 s0, $0xA;
	s2 =	sadd.s32 s3, s2  }
0x8d: {  	s2 =	sadd.s32 s2, s16  }
0x8e: {  	[smem:$0x3FC6] =	sst s2  }
0x8f: {  	_ = 	snop  }
0x90: {  	(tm) =	ssettm $0x1  }
0x91: {  	s17 =	sld [smem:$0x3FFB];
	_ =	sdelay $0x3  }
0x92: {  	_ =	strace s17  }
0x93: {  	s2 =	sld [smem:$0x3FFC];
	_ =	sdelay $0x3  }
0x94: {  	_ =	strace s2  }
0x95: {  	s2 =	sld [smem:$0x3FFD];
	_ =	sdelay $0x3  }
0x96: {  	_ =	strace s2  }
0x97: {  	_ =	strace $0x8FFFFFFF  }
0x98: {  	s18 =	sld [smem:$0x3FDB];
	_ =	sdelay $0x1  }
0x99: {  	s19 =	simm.s32 $_scs_section_size  }
0x9a: {  	s4 =	simm.s32 $_size__tile_overlayer_lowered;
	s5 =	simm.s32 $_tile_overlayer_lowered  }
0x9b: {  	s22 =	simm.s32 $0x1BFF;
	s21 =	sshll.u32 s5, $0x1;
	s2 =	sadd.s32 s19, s18  }
0x9c: {  	s6 =	simm.s32 $0x0;
	s20 =	sshll.u32 s4, $0x1;
	s4 =	sadd.s32 s21, s2  }
0x9d: {  	[timem:s6], [sflag:s22] =	dma.local [hbm:s4], s20  }
0x9e: {  	_ =	swait.ge [sflag:s22], s20  }
0x9f: {  	s3 =	ssub.s32 $0x0, s20;
	[sflag:s22] =	ssyncset.done $0x0  }
0xa0: {  	[sflag:s22] =	ssyncadd.s32 s3;
	_ =	sdelay $0x1  }
0xa1: {  	s23 =	simm.s32 $0x1B8B  }
0xa2: {  	_ =	swait.ge [sflag:s23], $0x1  }
0xa3: {  	[sflag:s23] =	ssyncset.done $0x0  }
0xa4: {  	s25 =	simm.s32 $0x1B8E;
	s24 =	sld [smem:$0x3FFE];
	[sflag:s23] =	ssyncadd.s32 $0xFFFFFFFF  }
0xa5: {  	s26 =	simm.s32 $execute0_lowered;
	[smem:$0x3FD2] =	sst s25  }
0xa6: {  	s4 =	sshll.u32 s26, $0x1;
	_ =	strace $0x80000046;
	[dreg:$0x1] =	wrdreg $0xFFFFFFFF  }
0xa7: {  	s28 =	simm.s32 $_size_execute0_lowered;
	s2 =	sadd.s32 s2, s4;
	[dreg:$0x0] =	wrdreg $0x0  }
0xa8: {  	s4 =	sshll.u32 s28, $0x1;
	[dreg:$0x2] =	wrdreg s2  }
0xa9: {  	[dreg:$0x3] =	wrdreg s4  }
0xaa: {  	[dreg:$0x4] =	wrdreg $0xC0  }
0xab: {  	_ =	task [dreg:s6], $0x5FFFF  }
0xac: {  	[dreg:$0x1] =	wrdreg $0xFFFFFFFF  }
0xad: {  	[dreg:$0x0] =	wrdreg $0x60  }
0xae: {  	[dreg:$0x2] =	wrdreg s24  }
0xaf: {  	[dreg:$0x3] =	wrdreg $0x9  }
0xb0: {  	_ =	task.clear_ibuf [dreg:s6], $0x4FFFF;
	_ =	strace $0x90000046  }
0xb1: {  	s29 =	simm.s32 $0x9;
	_ =	strace $0x80000048  }
0xb2: {  	_ =	swait.ge [sflag:s29], $0x1  }
0xb3: {  	[sflag:s29] =	ssyncadd.s32 $0xFFFFFFFF  }
0xb4: {  	_ =	strace $0x90000048  }
0xb5: {  	_ =	sfence  }
0xb6: {  	s30 =	sld [smem:$0x0];
	_ =	sdelay $0x2  }
0xb7: {  	s31 =	sshll.u32 s1, $0xD;
	s1 =	sshrl.u32 s1, $0x2  }
0xb8: {  	s3 =	sand.u32 $0x4000, s31;
	s1 =	sadd.s32 s1, s30  }
0xb9: {  	s0 =	sor.u32 s3, s0;
	s1 =	sshll.u32 s1, $0x11  }
0xba: {  	s0 =	sor.u32 s1, s0  }
0xbb: {  	s0 =	sadd.s32 $0x8F2B, s0  }
0xbc: {  	[sflag:s0] =	ssyncadd.remote.s32 $0x1  }
0xbd: {  	_ =	sfence.sel $0xFFFF  }
0xbe: {  	[dreg:$0x0] =	wrdreg $0xFFFFFFFF;
	(pc) =	sbr.abs _section_cstart, $3  }
0xbf: {  	[dreg:$0x1] =	wrdreg $0xFFFFFFFF  }
0xc0: {  	_ =	task.clear_ibuf [dreg:s6], $0x2FFFF;
	_ =	strace $0x9FFFFFFF  }
0xc1: {  	(tm) =	ssettm $0x7FFFFFFF  }
tec
execute0_lowered:
.L_overlay_start_1:
0x0: {  	(tag) =	ssettag $0x1  }
0x1: {  	s1 =	srdreg.scid  }
0x2: {  	s0 =	stileid.u32;
	s4 =	rddreg [dreg:$0x0];
	s2 =	simm.s32 $0x0  }
0x3: {  	s13 =	simm.s32 $0x1;
	s14 =	simm.s32 $0x2;
	s9 =	smul.u32 $0x1B8000, s0  }
0x4: {  	s15 =	simm.s32 $0x0;
	s5 =	sand.u32 $0x1, s1;
	s12 =	smul.u32 $0x37000, s0  }
0x5: {  	s3 =	sshll.u32 s0, $0x1;
	[smem:$0x7FF] =	sst s2;
	s11 =	smul.u32 $0xDC000, s5  }
0x6: {  	s10 =	sadd.s32 $0x7BE200, s4;
	s6 =	sor.u32 s5, s3;
	s28 =	smul.u32 $0x1B800, s5  }
0x7: {  	s1 =	rddreg [dreg:$0x1];
	_ =	strace $0x80000047;
	s7 =	smul.u32 $0x380, s6  }
0x8: {  	s3 =	sadd.s32 $0xE200, s4;
	s8 =	ssub.s32 $0x2, s5;
	s6 =	smul.u32 $0xDC000, s6  }
0x9: {  	s26 =	sshrl.u32 s8, $0x1;
	s29 =	sadd.s32 s12, s10;
	s12 =	simm.s32 $0x5C00  }
0xa: {  	s8 =	ssub.s32 s8, s26;
	s9 =	sadd.s32 s11, s9;
	s31 =	sadd.s32 s28, s29  }
0xb: {  	s11 =	simm.s32 $0x80;
	s7 =	sadd.s32 s7, s4;
	s6 =	sshrl.u32 s6, $0x3  }
0xc: {  	s30 =	sshrl.u32 s9, $0x3;
	s9 =	simm.s32 $0x3;
	s4 =	sadd.s32 $0x7200, s7  }
0xd: {  	s6 =	sadd.s32 s10, s6;
	s7 =	sadd.s32 s30, s10;
	s10 =	simm.s32 $0x1C00  }
0xe: {  	s5 =	sadd.s32 $0x1B000, s6;
	s6 =	smax.u32 s8, $0x1;
	s8 =	sadd.s32 $0x800, s31  }
.LBB2_1:
0xf: {  	[tilespmem:s2], [sflag:$0x3] =	stream.linear.gather [hbm4b:s4+s2], $0x1B80, $0x38;
	[tilespmem:$0x9C00] =	vst v63  }
0x10: {  	_ =	swait.ge [sflag:s9], $0x1B80  }
0x11: {  	[sflag:s9] =	ssyncset.done $0x0  }
0x12: {  	[sflag:s9] =	ssyncadd.s32 $0xFFFFE480  }
0x13: {  	[tilespmem:s10], [sflag:$0x1] =	stream.indirect.gather [hbm4b:s3+s11], $0x80, s2, s11, $0xb8;
	[tilespmem:$0x9C00] =	vst v63  }
0x14: {  	_ = 	snop  }
0x15: {  	[tilespmem:s12], [sflag:$0x2] =	stream.indirect.gather [hbm4b:s3+s11], $0x80, s11, s11, $0xb8;
	[tilespmem:$0x9C00] =	vst v63  }
0x16: {  	_ =	swait.ge [sflag:s13], $0x4000  }
0x17: {  	[sflag:s13] =	ssyncset.done $0x0  }
0x18: {  	s16 =	sadd.s32 $0x0, s7;
	[sflag:s13] =	ssyncadd.s32 $0xFFFFC000  }
0x19: {  	[hbm4b:s16+s2] =	stream.linear.scatter [tilespmem:s10], [sflag:$0x3], $0x4000, $0x38;
	[tilespmem:$0x9C00] =	vst v63  }
0x1a: {  	_ =	swait.ge [sflag:s9], $0x4000  }
0x1b: {  	[sflag:s9] =	ssyncset.done $0x0  }
0x1c: {  	s30 =	simm.s32 $0x100;
	[sflag:s9] =	ssyncadd.s32 $0xFFFFC000  }
0x1d: {  	[tilespmem:s10], [sflag:$0x1] =	stream.indirect.gather [hbm4b:s3+s11], $0x80, s30, s11, $0xb8;
	[tilespmem:$0x9C00] =	vst v63  }
0x1e: {  	_ =	swait.ge [sflag:s14], $0x4000  }
0x1f: {  	[sflag:s14] =	ssyncset.done $0x0  }
0x20: {  	s31 =	sadd.s32 $0x0, s8;
	[sflag:s14] =	ssyncadd.s32 $0xFFFFC000  }
0x21: {  	[hbm4b:s31+s2] =	stream.linear.scatter [tilespmem:s12], [sflag:$0x3], $0x4000, $0x38;
	[tilespmem:$0x9C00] =	vst v63  }
0x22: {  	_ =	swait.ge [sflag:s9], $0x4000  }
0x23: {  	s17 =	simm.s32 $0x80;
	s16 =	simm.s32 $0x1000;
	[sflag:s9] =	ssyncset.done $0x0  }
.LBB2_2:
0x24: {  	p0 =	sne.s32 s16, $0x1A000;
	[sflag:s9] =	ssyncadd.s32 $0xFFFFC000;
	s17 =	sadd.s32 $0x100, s17  }
0x25: {  	[tilespmem:s12], [sflag:$0x2] =	stream.indirect.gather [hbm4b:s3+s11], $0x80, s17, s11, $0xb8;
	[tilespmem:$0x9C00] =	vst v63  }
0x26: {  	s18 =	smov.u32 s16;
	s16 =	sadd.s32 $0x1000, s16;
	_ =	swait.ge [sflag:s13], $0x4000  }
0x27: {  	[sflag:s13] =	ssyncset.done $0x0  }
0x28: {  	s19 =	sadd.s32 s18, s7;
	[sflag:s13] =	ssyncadd.s32 $0xFFFFC000  }
0x29: {  	[hbm4b:s19+s2] =	stream.linear.scatter [tilespmem:s10], [sflag:$0x3], $0x4000, $0x38;
	[tilespmem:$0x9C00] =	vst v63  }
0x2a: {  	_ =	swait.ge [sflag:s9], $0x4000  }
0x2b: {  	[sflag:s9] =	ssyncset.done $0x0  }
0x2c: {  	s19 =	sadd.s32 $0x80, s17;
	[sflag:s9] =	ssyncadd.s32 $0xFFFFC000  }
0x2d: {  	[tilespmem:s10], [sflag:$0x1] =	stream.indirect.gather [hbm4b:s3+s11], $0x80, s19, s11, $0xb8;
	[tilespmem:$0x9C00] =	vst v63  }
0x2e: {  	_ =	swait.ge [sflag:s14], $0x4000  }
.Ltmp0:
0x2f: {  	[sflag:s14] =	ssyncset.done $0x0;
	(pc) =	sbr.rel @p0 .LBB2_2-.Ltmp0, $4  }
0x30: {  	s18 =	sadd.s32 s18, s8;
	[sflag:s14] =	ssyncadd.s32 $0xFFFFC000  }
0x31: {  	[hbm4b:s18+s2] =	stream.linear.scatter [tilespmem:s12], [sflag:$0x3], $0x4000, $0x38;
	[tilespmem:$0x9C00] =	vst v63  }
0x32: {  	_ =	swait.ge [sflag:s9], $0x4000  }
0x33: {  	[sflag:s9] =	ssyncset.done $0x0  }
0x34: {  	[sflag:s9] =	ssyncadd.s32 $0xFFFFC000  }
0x35: {  	s15 =	sadd.s32 $0x1, s15;
	_ =	swait.ge [sflag:s13], $0x4000  }
0x36: {  	p0 =	sne.s32 s15, s6;
	[sflag:s13] =	ssyncset.done $0x0  }
.Ltmp1:
0x37: {  	[sflag:s13] =	ssyncadd.s32 $0xFFFFC000;
	(pc) =	sbr.rel @p0 .LBB2_1-.Ltmp1, $4  }
0x38: {  	[hbm4b:s5+s2] =	stream.linear.scatter [tilespmem:s10], [sflag:$0x3], $0x4000, $0x38;
	[tilespmem:$0x9C00] =	vst v63  }
0x39: {  	_ =	swait.ge [sflag:s9], $0x4000  }
0x3a: {  	[sflag:s9] =	ssyncset.done $0x0  }
0x3b: {  	[sflag:s9] =	ssyncadd.s32 $0xFFFFC000  }
0x3c: {  	_ =	sfence.sel $0x180000  }
0x3d: {  	[bflag:$0x0] =	sbarrier.arrive $0xFFFF  }
0x3e: {  	p0 =	sne.s32 s0, $0x0;
	_ =	strace $0x90000047  }
0x3f: {  	s0 =	sadd.s32 @!p0 $0x100000, s1;
	[bflag:$0x2] =	sbarrier.arrive $0xFFFF  }
0x40: {  	[sflag:s0] =	ssyncadd.tile.s32 @!p0 $0x1;
	_ =	shalt  }
.Lfunc_end2:
_tile_overlayer_lowered:
.L_overlay_start_2:
0x41: {  	(tag) =	ssettag $0x2  }
0x42: {  	s0 =	rddreg [dreg:$0x0];
	s2 =	stileid.u32  }
0x43: {  	s1 =	rddreg [dreg:$0x1];
	p0 =	sne.s32 s2, $0x0  }
0x44: {  	s3 =	rddreg [dreg:$0x2];
	[bflag:$0x3] =	sbarrier.arrive $0xFFFF;
	s2 =	simm.s32 @!p0 $0x1C03  }
0x45: {  	[timem:s3], [sflag:s2] =	dma.local @!p0 [hbm:s0], s1  }
0x46: {  	s0 =	simm.s32 @!p0 $0x3  }
0x47: {  	_ =	swait.ge @!p0 [sflag:s0], s1  }
0x48: {  	s1 =	ssub.s32 @!p0 $0x0, s1;
	[sflag:s0] =	ssyncset.done @!p0 $0x0  }
0x49: {  	[sflag:s0] =	ssyncadd.s32 @!p0 s1  }
0x4a: {  	[bflag:$0x3] =	sbarrier.arrive $0xFFFF  }
0x4b: {  	_ =	shalt  }

</sc_bundles>
